<compile_context>
chip_gen: v7x
topology: tpu7x:2x2x1
jax: 0.10.2.dev20260603
libtpu: 0.0.44.dev20260713+nightly
codegen_flags: <defaults>
</compile_context>

<pallas_src>
import functools

import jax
import jax.numpy as jnp
from jax import lax
from jax.experimental import pallas as pl
from jax.experimental.pallas import tpu as pltpu
from jax.experimental.pallas import tpu_sc as plsc

_N = 2_000_000
_NC = 2
_NS = 16
_NW = _NC * _NS
_L = 16
_ROW = 128
_CHUNK = 61 * _ROW
_NCHUNK = 8
_NBUF = 4
_PER_TILE = _CHUNK * _NCHUNK
_TAIL_ROW0 = _NW * _PER_TILE // _ROW
_NTAIL = _N // _ROW - _TAIL_ROW0
_TBL = 119
_TBL_PAD = 128

_NORM = 0.5

_mesh = plsc.VectorSubcoreMesh(core_axis_name="c", subcore_axis_name="s")


@functools.partial(
    pl.kernel,
    mesh=_mesh,
    compiler_params=pltpu.CompilerParams(needs_layout_passes=False),
    out_type=jax.ShapeDtypeStruct((_N,), jnp.float32),
    scratch_types=(
        [pltpu.VMEM((_TBL_PAD,), jnp.float32)]
        + [pltpu.VMEM((_CHUNK,), jnp.int32) for _ in range(_NBUF)]
        + [pltpu.VMEM((_CHUNK,), jnp.float32) for _ in range(_NBUF)]
        + [
            pltpu.VMEM((_TBL_PAD,), jnp.float32),
            pltpu.VMEM((_ROW,), jnp.int32),
            pltpu.VMEM((_ROW,), jnp.float32),
        ]
        + [pltpu.SemaphoreType.DMA for _ in range(2 * _NBUF)]
    ),
)
def _fixed_charges_sc(idx_hbm, tbl_hbm, out_hbm, tbl_v,
                      idx_v0, idx_v1, idx_v2, idx_v3,
                      out_v0, out_v1, out_v2, out_v3,
                      tbl_raw, tidx_v, tout_v,
                      sem_i0, sem_i1, sem_i2, sem_i3,
                      sem_o0, sem_o1, sem_o2, sem_o3):
    wid = lax.axis_index("s") * _NC + lax.axis_index("c")
    base = wid * _PER_TILE

    idx_bufs = (idx_v0, idx_v1, idx_v2, idx_v3)
    out_bufs = (out_v0, out_v1, out_v2, out_v3)
    sems_in = (sem_i0, sem_i1, sem_i2, sem_i3)
    sems_out = (sem_o0, sem_o1, sem_o2, sem_o3)

    for b in range(_NBUF):
        pltpu.async_copy(
            idx_hbm.at[pl.ds(base + b * _CHUNK, _CHUNK)], idx_bufs[b],
            sems_in[b],
        )

    pltpu.sync_copy(tbl_hbm, tbl_raw.at[pl.ds(0, _TBL)])
    for s in list(range(0, _TBL - _L, _L)) + [_TBL - _L]:
        sl = pl.ds(s, _L)
        tbl_v[sl] = tbl_raw[sl] * jnp.float32(_NORM)

    @pl.when(wid < _NTAIL)
    def _tail():
        off = (_TAIL_ROW0 + wid) * _ROW
        pltpu.sync_copy(idx_hbm.at[pl.ds(off, _ROW)], tidx_v)
        for i in range(_ROW // _L):
            sl = pl.ds(i * _L, _L)
            tout_v[sl] = plsc.load_gather(tbl_v, [tidx_v[sl]])
        pltpu.sync_copy(tout_v, out_hbm.at[pl.ds(off, _ROW)])

    @pl.loop(0, _NCHUNK, step=_NBUF)
    def _ring(g0):
        for b in range(_NBUF):
            gg = g0 + b
            off = base + gg * _CHUNK
            ib = idx_bufs[b]
            ob = out_bufs[b]

            pltpu.make_async_copy(
                idx_hbm.at[pl.ds(off, _CHUNK)], ib, sems_in[b]
            ).wait()

            @pl.when(gg >= _NBUF)
            def _wait_prev_out():
                pltpu.make_async_copy(
                    ob, out_hbm.at[pl.ds(off, _CHUNK)], sems_out[b]
                ).wait()

            @plsc.parallel_loop(0, _CHUNK, step=_L, unroll=4)
            def _gather(i):
                ob[pl.ds(i, _L)] = plsc.load_gather(tbl_v, [ib[pl.ds(i, _L)]])

            pltpu.async_copy(ob, out_hbm.at[pl.ds(off, _CHUNK)], sems_out[b])

            @pl.when(gg + _NBUF < _NCHUNK)
            def _next_in():
                off2 = base + (gg + _NBUF) * _CHUNK
                pltpu.async_copy(
                    idx_hbm.at[pl.ds(off2, _CHUNK)], ib, sems_in[b]
                )

    for b in range(_NBUF):
        pltpu.make_async_copy(
            out_bufs[b], out_hbm.at[pl.ds(base, _CHUNK)], sems_out[b]
        ).wait()


def kernel(atomic_numbers, charge_table):
    return _fixed_charges_sc(
        atomic_numbers.astype(jnp.int32), charge_table.astype(jnp.float32)
    )

# --- scband reference (transcript-rebuilt; emitter-appended) ---
"""Pipeline reference for scband-fixed-charges-27049704030682 (READ-ONLY COPY).

The authoritative reference and input builder live on the scoring server;
editing this copy changes nothing except your own understanding.
"""

import jax, jax.numpy as jnp
import numpy as np

_TYPICAL_CHARGE = {1:1,2:0,3:1,4:2,5:3,6:4,7:-3,8:-2,9:-1,10:0,11:1,12:2,13:3,14:4,15:5,16:-2,17:-1,18:0,19:1,20:2,21:3,22:4,23:5,24:3,25:2,26:2,27:2,28:2,29:1,30:2,31:3,32:4,33:5,34:-2,35:-1,36:0,37:1,38:2,39:3,40:4,41:5,42:6,43:7,44:3,45:3,46:2,47:1,48:2,49:3,50:2,51:3,52:-2,53:-1,54:0,55:1,56:2,57:3,58:3,59:3,60:3,61:3,62:3,63:2,64:3,65:3,66:3,67:3,68:3,69:3,70:2,71:3,72:4,73:5,74:6,75:7,76:4,77:3,78:2,79:1,80:2,81:1,82:2,83:3,84:2,85:-1,86:0,87:1,88:2,89:3,90:4,91:5,92:6,93:5,94:4,95:3,96:3,97:3,98:3,99:3,100:3,101:3,102:2,103:3,104:4,105:5,106:6,107:7,108:4,109:3,110:2,111:1,112:2,113:3,114:2,115:3,116:2,117:-1,118:0}

_NORMALIZATION_FACTOR = 0.5

def _build_table():
    tbl = np.zeros(119, dtype=np.float32)
    for k, v in _TYPICAL_CHARGE.items():
        tbl[k] = float(v)
    return jnp.asarray(tbl)

def setup_inputs(seed: int = 0) -> dict:
    key = jax.random.key(seed)
    atomic_numbers = jax.random.randint(key, (2000000,), 0, 118)
    charge_table = _build_table()
    return {"atomic_numbers": atomic_numbers, "charge_table": charge_table}

def reference(atomic_numbers, charge_table):
    # Dict lookup charge_dict[z] expressed as a table gather (SparseCore-friendly)
    charge = jnp.take(charge_table, atomic_numbers, axis=0)
    return charge * _NORMALIZATION_FACTOR

if __name__ == "__main__":
    import jax
    _d = setup_inputs()
    print(jax.jit(kernel)(*tuple(_d.values())))

</pallas_src>

<mosaic_0001>
#map = affine_map<(d0, d1) -> (0)>
module attributes {stable_mosaic.version = 14 : i64} {
  func.func @_fixed_charges_sc(%arg0: i32, %arg1: i32, %arg2: memref<2000000xi32, #tpu.memory_space<hbm>>, %arg3: memref<119xf32, #tpu.memory_space<hbm>>, %arg4: memref<2000000xf32, #tpu.memory_space<hbm>>, %arg5: memref<128xf32, #tpu.memory_space<vmem>>, %arg6: memref<7808xi32, #tpu.memory_space<vmem>>, %arg7: memref<7808xi32, #tpu.memory_space<vmem>>, %arg8: memref<7808xi32, #tpu.memory_space<vmem>>, %arg9: memref<7808xi32, #tpu.memory_space<vmem>>, %arg10: memref<7808xf32, #tpu.memory_space<vmem>>, %arg11: memref<7808xf32, #tpu.memory_space<vmem>>, %arg12: memref<7808xf32, #tpu.memory_space<vmem>>, %arg13: memref<7808xf32, #tpu.memory_space<vmem>>, %arg14: memref<128xf32, #tpu.memory_space<vmem>>, %arg15: memref<128xi32, #tpu.memory_space<vmem>>, %arg16: memref<128xf32, #tpu.memory_space<vmem>>, %arg17: memref<!tpu.dma_semaphore, #tpu.memory_space<semaphore_mem>>, %arg18: memref<!tpu.dma_semaphore, #tpu.memory_space<semaphore_mem>>, %arg19: memref<!tpu.dma_semaphore, #tpu.memory_space<semaphore_mem>>, %arg20: memref<!tpu.dma_semaphore, #tpu.memory_space<semaphore_mem>>, %arg21: memref<!tpu.dma_semaphore, #tpu.memory_space<semaphore_mem>>, %arg22: memref<!tpu.dma_semaphore, #tpu.memory_space<semaphore_mem>>, %arg23: memref<!tpu.dma_semaphore, #tpu.memory_space<semaphore_mem>>, %arg24: memref<!tpu.dma_semaphore, #tpu.memory_space<semaphore_mem>>) attributes {dimension_semantics = [#tpu.dimension_semantics<core_parallel>, #tpu.dimension_semantics<subcore_parallel>], iteration_bounds = array<i64: 2, 16>, scalar_prefetch = 0 : i64, scratch_operands = 20 : i64, tpu.core_type = #tpu.core_type<sc_vector_subcore>, window_params = [{transform_indices = #map}, {transform_indices = #map}, {transform_indices = #map}]} {
    %mul3A = arith.constant 2 : i32
    %mul3A_0 = arith.muli %arg1, %mul3A : i32
    %add3A = arith.addi %mul3A_0, %arg0 : i32
    %mul3A_1 = arith.constant 62464 : i32
    %mul3A_2 = arith.muli %add3A, %mul3A_1 : i32
    %add3A_3 = arith.constant 0 : i32
    %add3A_4 = arith.addi %mul3A_2, %add3A_3 : i32
    %dma_start3A = tpu.memref_slice %arg2[%add3A_4] : memref<2000000xi32, #tpu.memory_space<hbm>> -> memref<7808xi32, #tpu.memory_space<hbm>>
    %dma_start3A_5 = tpu.memref_slice %arg2[%add3A_4] : memref<2000000xi32, #tpu.memory_space<hbm>> -> memref<7808xi32, #tpu.memory_space<hbm>>
    tpu.enqueue_dma source(%dma_start3A_5 : memref<7808xi32, #tpu.memory_space<hbm>>) target(%arg6 : memref<7808xi32, #tpu.memory_space<vmem>>) target_semaphore(%arg17 : memref<!tpu.dma_semaphore, #tpu.memory_space<semaphore_mem>>)
    %add3A_6 = arith.constant 7808 : i32
    %add3A_7 = arith.addi %mul3A_2, %add3A_6 : i32
    %dma_start3A_8 = tpu.memref_slice %arg2[%add3A_7] : memref<2000000xi32, #tpu.memory_space<hbm>> -> memref<7808xi32, #tpu.memory_space<hbm>>
    %dma_start3A_9 = tpu.memref_slice %arg2[%add3A_7] : memref<2000000xi32, #tpu.memory_space<hbm>> -> memref<7808xi32, #tpu.memory_space<hbm>>
    tpu.enqueue_dma source(%dma_start3A_9 : memref<7808xi32, #tpu.memory_space<hbm>>) target(%arg7 : memref<7808xi32, #tpu.memory_space<vmem>>) target_semaphore(%arg18 : memref<!tpu.dma_semaphore, #tpu.memory_space<semaphore_mem>>)
    %add3A_10 = arith.constant 15616 : i32
    %add3A_11 = arith.addi %mul3A_2, %add3A_10 : i32
    %dma_start3A_12 = tpu.memref_slice %arg2[%add3A_11] : memref<2000000xi32, #tpu.memory_space<hbm>> -> memref<7808xi32, #tpu.memory_space<hbm>>
    %dma_start3A_13 = tpu.memref_slice %arg2[%add3A_11] : memref<2000000xi32, #tpu.memory_space<hbm>> -> memref<7808xi32, #tpu.memory_space<hbm>>
    tpu.enqueue_dma source(%dma_start3A_13 : memref<7808xi32, #tpu.memory_space<hbm>>) target(%arg8 : memref<7808xi32, #tpu.memory_space<vmem>>) target_semaphore(%arg19 : memref<!tpu.dma_semaphore, #tpu.memory_space<semaphore_mem>>)
    %add3A_14 = arith.constant 23424 : i32
    %add3A_15 = arith.addi %mul3A_2, %add3A_14 : i32
    %dma_start3A_16 = tpu.memref_slice %arg2[%add3A_15] : memref<2000000xi32, #tpu.memory_space<hbm>> -> memref<7808xi32, #tpu.memory_space<hbm>>
    %dma_start3A_17 = tpu.memref_slice %arg2[%add3A_15] : memref<2000000xi32, #tpu.memory_space<hbm>> -> memref<7808xi32, #tpu.memory_space<hbm>>
    tpu.enqueue_dma source(%dma_start3A_17 : memref<7808xi32, #tpu.memory_space<hbm>>) target(%arg9 : memref<7808xi32, #tpu.memory_space<vmem>>) target_semaphore(%arg20 : memref<!tpu.dma_semaphore, #tpu.memory_space<semaphore_mem>>)
    "tpu.region"() ({
      %run_scoped3A = tpu.sem_alloc : memref<!tpu.dma_semaphore, #tpu.memory_space<semaphore_mem>>
      %dma_start3A_85 = arith.constant 0 : i32
      %dma_start3A_86 = tpu.memref_slice %arg14[%dma_start3A_85] : memref<128xf32, #tpu.memory_space<vmem>> -> memref<119xf32, #tpu.memory_space<vmem>>
      %dma_start3A_87 = arith.constant 0 : i32
      %dma_start3A_88 = tpu.memref_slice %arg14[%dma_start3A_87] : memref<128xf32, #tpu.memory_space<vmem>> -> memref<119xf32, #tpu.memory_space<vmem>>
      tpu.enqueue_dma source(%arg3 : memref<119xf32, #tpu.memory_space<hbm>>) target(%dma_start3A_88 : memref<119xf32, #tpu.memory_space<vmem>>) target_semaphore(%run_scoped3A : memref<!tpu.dma_semaphore, #tpu.memory_space<semaphore_mem>>)
      %dma_wait3A_89 = arith.constant 0 : i32
      %dma_wait3A_90 = tpu.memref_slice %arg14[%dma_wait3A_89] : memref<128xf32, #tpu.memory_space<vmem>> -> memref<119xf32, #tpu.memory_space<vmem>>
      %dma_wait3A_91 = arith.constant 0 : i32
      %dma_wait3A_92 = tpu.memref_slice %arg14[%dma_wait3A_91] : memref<128xf32, #tpu.memory_space<vmem>> -> memref<119xf32, #tpu.memory_space<vmem>>
      tpu.wait_dma2 semaphore(%run_scoped3A : memref<!tpu.dma_semaphore, #tpu.memory_space<semaphore_mem>>) src(%arg3 : memref<119xf32, #tpu.memory_space<hbm>>) dst(%dma_wait3A_92 : memref<119xf32, #tpu.memory_space<vmem>>)
      tpu.yield
    }) : () -> ()
    %get3A = arith.constant 0 : index
    %get3A_18 = tpu.vector_load %arg14[%get3A] {strides = array<i32>} : memref<128xf32, #tpu.memory_space<vmem>>, vector<16xf32>,
    %mul3A_19 = arith.constant 5.000000e-01 : f32
    %mul3A_20 = vector.broadcast %mul3A_19 : f32 to vector<16xf32>
    %mul3A_21 = arith.mulf %get3A_18, %mul3A_20 : vector<16xf32>
    %swap3A = arith.constant 0 : index
    %swap3A_22 = tpu.vector_load %arg5[%swap3A] {strides = array<i32>} : memref<128xf32, #tpu.memory_space<vmem>>, vector<16xf32>,
    tpu.vector_store %arg5[%swap3A], %mul3A_21 {strides = array<i32>} : memref<128xf32, #tpu.memory_space<vmem>>, vector<16xf32>,
    %get3A_23 = arith.constant 16 : index
    %get3A_24 = tpu.vector_load %arg14[%get3A_23] {strides = array<i32>} : memref<128xf32, #tpu.memory_space<vmem>>, vector<16xf32>,
    %mul3A_25 = arith.constant 5.000000e-01 : f32
    %mul3A_26 = vector.broadcast %mul3A_25 : f32 to vector<16xf32>
    %mul3A_27 = arith.mulf %get3A_24, %mul3A_26 : vector<16xf32>
    %swap3A_28 = arith.constant 16 : index
    %swap3A_29 = tpu.vector_load %arg5[%swap3A_28] {strides = array<i32>} : memref<128xf32, #tpu.memory_space<vmem>>, vector<16xf32>,
    tpu.vector_store %arg5[%swap3A_28], %mul3A_27 {strides = array<i32>} : memref<128xf32, #tpu.memory_space<vmem>>, vector<16xf32>,
    %get3A_30 = arith.constant 32 : index
    %get3A_31 = tpu.vector_load %arg14[%get3A_30] {strides = array<i32>} : memref<128xf32, #tpu.memory_space<vmem>>, vector<16xf32>,
    %mul3A_32 = arith.constant 5.000000e-01 : f32
    %mul3A_33 = vector.broadcast %mul3A_32 : f32 to vector<16xf32>
    %mul3A_34 = arith.mulf %get3A_31, %mul3A_33 : vector<16xf32>
    %swap3A_35 = arith.constant 32 : index
    %swap3A_36 = tpu.vector_load %arg5[%swap3A_35] {strides = array<i32>} : memref<128xf32, #tpu.memory_space<vmem>>, vector<16xf32>,
    tpu.vector_store %arg5[%swap3A_35], %mul3A_34 {strides = array<i32>} : memref<128xf32, #tpu.memory_space<vmem>>, vector<16xf32>,
    %get3A_37 = arith.constant 48 : index
    %get3A_38 = tpu.vector_load %arg14[%get3A_37] {strides = array<i32>} : memref<128xf32, #tpu.memory_space<vmem>>, vector<16xf32>,
    %mul3A_39 = arith.constant 5.000000e-01 : f32
    %mul3A_40 = vector.broadcast %mul3A_39 : f32 to vector<16xf32>
    %mul3A_41 = arith.mulf %get3A_38, %mul3A_40 : vector<16xf32>
    %swap3A_42 = arith.constant 48 : index
    %swap3A_43 = tpu.vector_load %arg5[%swap3A_42] {strides = array<i32>} : memref<128xf32, #tpu.memory_space<vmem>>, vector<16xf32>,
    tpu.vector_store %arg5[%swap3A_42], %mul3A_41 {strides = array<i32>} : memref<128xf32, #tpu.memory_space<vmem>>, vector<16xf32>,
    %get3A_44 = arith.constant 64 : index
    %get3A_45 = tpu.vector_load %arg14[%get3A_44] {strides = array<i32>} : memref<128xf32, #tpu.memory_space<vmem>>, vector<16xf32>,
    %mul3A_46 = arith.constant 5.000000e-01 : f32
    %mul3A_47 = vector.broadcast %mul3A_46 : f32 to vector<16xf32>
    %mul3A_48 = arith.mulf %get3A_45, %mul3A_47 : vector<16xf32>
    %swap3A_49 = arith.constant 64 : index
    %swap3A_50 = tpu.vector_load %arg5[%swap3A_49] {strides = array<i32>} : memref<128xf32, #tpu.memory_space<vmem>>, vector<16xf32>,
    tpu.vector_store %arg5[%swap3A_49], %mul3A_48 {strides = array<i32>} : memref<128xf32, #tpu.memory_space<vmem>>, vector<16xf32>,
    %get3A_51 = arith.constant 80 : index
    %get3A_52 = tpu.vector_load %arg14[%get3A_51] {strides = array<i32>} : memref<128xf32, #tpu.memory_space<vmem>>, vector<16xf32>,
    %mul3A_53 = arith.constant 5.000000e-01 : f32
    %mul3A_54 = vector.broadcast %mul3A_53 : f32 to vector<16xf32>
    %mul3A_55 = arith.mulf %get3A_52, %mul3A_54 : vector<16xf32>
    %swap3A_56 = arith.constant 80 : index
    %swap3A_57 = tpu.vector_load %arg5[%swap3A_56] {strides = array<i32>} : memref<128xf32, #tpu.memory_space<vmem>>, vector<16xf32>,
    tpu.vector_store %arg5[%swap3A_56], %mul3A_55 {strides = array<i32>} : memref<128xf32, #tpu.memory_space<vmem>>, vector<16xf32>,
    %get3A_58 = arith.constant 96 : index
    %get3A_59 = tpu.vector_load %arg14[%get3A_58] {strides = array<i32>} : memref<128xf32, #tpu.memory_space<vmem>>, vector<16xf32>,
    %mul3A_60 = arith.constant 5.000000e-01 : f32
    %mul3A_61 = vector.broadcast %mul3A_60 : f32 to vector<16xf32>
    %mul3A_62 = arith.mulf %get3A_59, %mul3A_61 : vector<16xf32>
    %swap3A_63 = arith.constant 96 : index
    %swap3A_64 = tpu.vector_load %arg5[%swap3A_63] {strides = array<i32>} : memref<128xf32, #tpu.memory_space<vmem>>, vector<16xf32>,
    tpu.vector_store %arg5[%swap3A_63], %mul3A_62 {strides = array<i32>} : memref<128xf32, #tpu.memory_space<vmem>>, vector<16xf32>,
    %get3A_65 = arith.constant 103 : index
    %get3A_66 = tpu.vector_load %arg14[%get3A_65] {strides = array<i32>} : memref<128xf32, #tpu.memory_space<vmem>>, vector<16xf32>,
    %mul3A_67 = arith.constant 5.000000e-01 : f32
    %mul3A_68 = vector.broadcast %mul3A_67 : f32 to vector<16xf32>
    %mul3A_69 = arith.mulf %get3A_66, %mul3A_68 : vector<16xf32>
    %swap3A_70 = arith.constant 103 : index
    %swap3A_71 = tpu.vector_load %arg5[%swap3A_70] {strides = array<i32>} : memref<128xf32, #tpu.memory_space<vmem>>, vector<16xf32>,
    tpu.vector_store %arg5[%swap3A_70], %mul3A_69 {strides = array<i32>} : memref<128xf32, #tpu.memory_space<vmem>>, vector<16xf32>,
    %lt3A = arith.constant 9 : i32
    %lt3A_72 = arith.cmpi slt, %add3A, %lt3A : i32
    %convert_element_type3A = arith.extui %lt3A_72 : i1 to i32
    %cond3A = arith.constant 0 : i32
    %cond3A_73 = arith.cmpi ne, %convert_element_type3A, %cond3A : i32
    scf.if %cond3A_73 {
      %add3A_85 = arith.constant 15616 : i32
      %add3A_86 = arith.addi %add3A_85, %add3A : i32
      %mul3A_87 = arith.constant 128 : i32
      %mul3A_88 = arith.muli %add3A_86, %mul3A_87 : i32
      "tpu.region"() ({
        %run_scoped3A = tpu.sem_alloc : memref<!tpu.dma_semaphore, #tpu.memory_space<semaphore_mem>>
        %dma_start3A_128 = tpu.memref_slice %arg2[%mul3A_88] : memref<2000000xi32, #tpu.memory_space<hbm>> -> memref<128xi32, #tpu.memory_space<hbm>>
        %dma_start3A_129 = tpu.memref_slice %arg2[%mul3A_88] : memref<2000000xi32, #tpu.memory_space<hbm>> -> memref<128xi32, #tpu.memory_space<hbm>>
        tpu.enqueue_dma source(%dma_start3A_129 : memref<128xi32, #tpu.memory_space<hbm>>) target(%arg15 : memref<128xi32, #tpu.memory_space<vmem>>) target_semaphore(%run_scoped3A : memref<!tpu.dma_semaphore, #tpu.memory_space<semaphore_mem>>)
        %dma_wait3A_130 = tpu.memref_slice %arg2[%mul3A_88] : memref<2000000xi32, #tpu.memory_space<hbm>> -> memref<128xi32, #tpu.memory_space<hbm>>
        %dma_wait3A_131 = tpu.memref_slice %arg2[%mul3A_88] : memref<2000000xi32, #tpu.memory_space<hbm>> -> memref<128xi32, #tpu.memory_space<hbm>>
        tpu.wait_dma2 semaphore(%run_scoped3A : memref<!tpu.dma_semaphore, #tpu.memory_space<semaphore_mem>>) src(%dma_wait3A_131 : memref<128xi32, #tpu.memory_space<hbm>>) dst(%arg15 : memref<128xi32, #tpu.memory_space<vmem>>)
        tpu.yield
      }) : () -> ()
      %get3A_89 = arith.constant 0 : index
      %get3A_90 = tpu.vector_load %arg15[%get3A_89] {strides = array<i32>} : memref<128xi32, #tpu.memory_space<vmem>>, vector<16xi32>,
      %gather3A = tpu.vector_load_idx %arg5[%get3A_90] : memref<128xf32, #tpu.memory_space<vmem>>[vector<16xi32>], vector<16xf32>,
      %swap3A_91 = arith.constant 0 : index
      %swap3A_92 = tpu.vector_load %arg16[%swap3A_91] {strides = array<i32>} : memref<128xf32, #tpu.memory_space<vmem>>, vector<16xf32>,
      tpu.vector_store %arg16[%swap3A_91], %gather3A {strides = array<i32>} : memref<128xf32, #tpu.memory_space<vmem>>, vector<16xf32>,
      %get3A_93 = arith.constant 16 : index
      %get3A_94 = tpu.vector_load %arg15[%get3A_93] {strides = array<i32>} : memref<128xi32, #tpu.memory_space<vmem>>, vector<16xi32>,
      %gather3A_95 = tpu.vector_load_idx %arg5[%get3A_94] : memref<128xf32, #tpu.memory_space<vmem>>[vector<16xi32>], vector<16xf32>,
      %swap3A_96 = arith.constant 16 : index
      %swap3A_97 = tpu.vector_load %arg16[%swap3A_96] {strides = array<i32>} : memref<128xf32, #tpu.memory_space<vmem>>, vector<16xf32>,
      tpu.vector_store %arg16[%swap3A_96], %gather3A_95 {strides = array<i32>} : memref<128xf32, #tpu.memory_space<vmem>>, vector<16xf32>,
      %get3A_98 = arith.constant 32 : index
      %get3A_99 = tpu.vector_load %arg15[%get3A_98] {strides = array<i32>} : memref<128xi32, #tpu.memory_space<vmem>>, vector<16xi32>,
      %gather3A_100 = tpu.vector_load_idx %arg5[%get3A_99] : memref<128xf32, #tpu.memory_space<vmem>>[vector<16xi32>], vector<16xf32>,
      %swap3A_101 = arith.constant 32 : index
      %swap3A_102 = tpu.vector_load %arg16[%swap3A_101] {strides = array<i32>} : memref<128xf32, #tpu.memory_space<vmem>>, vector<16xf32>,
      tpu.vector_store %arg16[%swap3A_101], %gather3A_100 {strides = array<i32>} : memref<128xf32, #tpu.memory_space<vmem>>, vector<16xf32>,
      %get3A_103 = arith.constant 48 : index
      %get3A_104 = tpu.vector_load %arg15[%get3A_103] {strides = array<i32>} : memref<128xi32, #tpu.memory_space<vmem>>, vector<16xi32>,
      %gather3A_105 = tpu.vector_load_idx %arg5[%get3A_104] : memref<128xf32, #tpu.memory_space<vmem>>[vector<16xi32>], vector<16xf32>,
      %swap3A_106 = arith.constant 48 : index
      %swap3A_107 = tpu.vector_load %arg16[%swap3A_106] {strides = array<i32>} : memref<128xf32, #tpu.memory_space<vmem>>, vector<16xf32>,
      tpu.vector_store %arg16[%swap3A_106], %gather3A_105 {strides = array<i32>} : memref<128xf32, #tpu.memory_space<vmem>>, vector<16xf32>,
      %get3A_108 = arith.constant 64 : index
      %get3A_109 = tpu.vector_load %arg15[%get3A_108] {strides = array<i32>} : memref<128xi32, #tpu.memory_space<vmem>>, vector<16xi32>,
      %gather3A_110 = tpu.vector_load_idx %arg5[%get3A_109] : memref<128xf32, #tpu.memory_space<vmem>>[vector<16xi32>], vector<16xf32>,
      %swap3A_111 = arith.constant 64 : index
      %swap3A_112 = tpu.vector_load %arg16[%swap3A_111] {strides = array<i32>} : memref<128xf32, #tpu.memory_space<vmem>>, vector<16xf32>,
      tpu.vector_store %arg16[%swap3A_111], %gather3A_110 {strides = array<i32>} : memref<128xf32, #tpu.memory_space<vmem>>, vector<16xf32>,
      %get3A_113 = arith.constant 80 : index
      %get3A_114 = tpu.vector_load %arg15[%get3A_113] {strides = array<i32>} : memref<128xi32, #tpu.memory_space<vmem>>, vector<16xi32>,
      %gather3A_115 = tpu.vector_load_idx %arg5[%get3A_114] : memref<128xf32, #tpu.memory_space<vmem>>[vector<16xi32>], vector<16xf32>,
      %swap3A_116 = arith.constant 80 : index
      %swap3A_117 = tpu.vector_load %arg16[%swap3A_116] {strides = array<i32>} : memref<128xf32, #tpu.memory_space<vmem>>, vector<16xf32>,
      tpu.vector_store %arg16[%swap3A_116], %gather3A_115 {strides = array<i32>} : memref<128xf32, #tpu.memory_space<vmem>>, vector<16xf32>,
      %get3A_118 = arith.constant 96 : index
      %get3A_119 = tpu.vector_load %arg15[%get3A_118] {strides = array<i32>} : memref<128xi32, #tpu.memory_space<vmem>>, vector<16xi32>,
      %gather3A_120 = tpu.vector_load_idx %arg5[%get3A_119] : memref<128xf32, #tpu.memory_space<vmem>>[vector<16xi32>], vector<16xf32>,
      %swap3A_121 = arith.constant 96 : index
      %swap3A_122 = tpu.vector_load %arg16[%swap3A_121] {strides = array<i32>} : memref<128xf32, #tpu.memory_space<vmem>>, vector<16xf32>,
      tpu.vector_store %arg16[%swap3A_121], %gather3A_120 {strides = array<i32>} : memref<128xf32, #tpu.memory_space<vmem>>, vector<16xf32>,
      %get3A_123 = arith.constant 112 : index
      %get3A_124 = tpu.vector_load %arg15[%get3A_123] {strides = array<i32>} : memref<128xi32, #tpu.memory_space<vmem>>, vector<16xi32>,
      %gather3A_125 = tpu.vector_load_idx %arg5[%get3A_124] : memref<128xf32, #tpu.memory_space<vmem>>[vector<16xi32>], vector<16xf32>,
      %swap3A_126 = arith.constant 112 : index
      %swap3A_127 = tpu.vector_load %arg16[%swap3A_126] {strides = array<i32>} : memref<128xf32, #tpu.memory_space<vmem>>, vector<16xf32>,
      tpu.vector_store %arg16[%swap3A_126], %gather3A_125 {strides = array<i32>} : memref<128xf32, #tpu.memory_space<vmem>>, vector<16xf32>,
      "tpu.region"() ({
        %run_scoped3A = tpu.sem_alloc : memref<!tpu.dma_semaphore, #tpu.memory_space<semaphore_mem>>
        %dma_start3A_128 = tpu.memref_slice %arg4[%mul3A_88] : memref<2000000xf32, #tpu.memory_space<hbm>> -> memref<128xf32, #tpu.memory_space<hbm>>
        %dma_start3A_129 = tpu.memref_slice %arg4[%mul3A_88] : memref<2000000xf32, #tpu.memory_space<hbm>> -> memref<128xf32, #tpu.memory_space<hbm>>
        tpu.enqueue_dma source(%arg16 : memref<128xf32, #tpu.memory_space<vmem>>) target(%dma_start3A_129 : memref<128xf32, #tpu.memory_space<hbm>>) target_semaphore(%run_scoped3A : memref<!tpu.dma_semaphore, #tpu.memory_space<semaphore_mem>>)
        %dma_wait3A_130 = tpu.memref_slice %arg4[%mul3A_88] : memref<2000000xf32, #tpu.memory_space<hbm>> -> memref<128xf32, #tpu.memory_space<hbm>>
        %dma_wait3A_131 = tpu.memref_slice %arg4[%mul3A_88] : memref<2000000xf32, #tpu.memory_space<hbm>> -> memref<128xf32, #tpu.memory_space<hbm>>
        tpu.wait_dma2 semaphore(%run_scoped3A : memref<!tpu.dma_semaphore, #tpu.memory_space<semaphore_mem>>) src(%arg16 : memref<128xf32, #tpu.memory_space<vmem>>) dst(%dma_wait3A_131 : memref<128xf32, #tpu.memory_space<hbm>>)
        tpu.yield
      }) : () -> ()
    } else {
    }
    %scan3A = arith.constant 0 : i32
    %scan3A_74 = arith.constant 2 : i32
    %scan3A_75 = arith.addi %scan3A, %scan3A_74 : i32
    %scan3A_76 = arith.constant 1 : i32
    scf.for %scan3A_85 = %scan3A to %scan3A_75 step %scan3A_76  : i32 {
      %mul3A_86 = arith.constant 4 : i32
      %mul3A_87 = arith.muli %scan3A_85, %mul3A_86 : i32
      %add3A_88 = arith.constant 0 : i32
      %add3A_89 = arith.addi %add3A_88, %mul3A_87 : i32
      %add3A_90 = arith.constant 0 : i32
      %add3A_91 = arith.addi %add3A_89, %add3A_90 : i32
      %mul3A_92 = arith.constant 7808 : i32
      %mul3A_93 = arith.muli %add3A_91, %mul3A_92 : i32
      %add3A_94 = arith.addi %mul3A_2, %mul3A_93 : i32
      %dma_wait3A_95 = tpu.memref_slice %arg2[%add3A_94] : memref<2000000xi32, #tpu.memory_space<hbm>> -> memref<7808xi32, #tpu.memory_space<hbm>>
      %dma_wait3A_96 = tpu.memref_slice %arg2[%add3A_94] : memref<2000000xi32, #tpu.memory_space<hbm>> -> memref<7808xi32, #tpu.memory_space<hbm>>
      tpu.wait_dma2 semaphore(%arg17 : memref<!tpu.dma_semaphore, #tpu.memory_space<semaphore_mem>>) src(%dma_wait3A_96 : memref<7808xi32, #tpu.memory_space<hbm>>) dst(%arg6 : memref<7808xi32, #tpu.memory_space<vmem>>)
      %ge3A = arith.constant 4 : i32
      %ge3A_97 = arith.cmpi sge, %add3A_91, %ge3A : i32
      %convert_element_type3A_98 = arith.extui %ge3A_97 : i1 to i32
      %cond3A_99 = arith.constant 0 : i32
      %cond3A_100 = arith.cmpi ne, %convert_element_type3A_98, %cond3A_99 : i32
      scf.if %cond3A_100 {
        %dma_wait3A_184 = tpu.memref_slice %arg4[%add3A_94] : memref<2000000xf32, #tpu.memory_space<hbm>> -> memref<7808xf32, #tpu.memory_space<hbm>>
        %dma_wait3A_185 = tpu.memref_slice %arg4[%add3A_94] : memref<2000000xf32, #tpu.memory_space<hbm>> -> memref<7808xf32, #tpu.memory_space<hbm>>
        tpu.wait_dma2 semaphore(%arg21 : memref<!tpu.dma_semaphore, #tpu.memory_space<semaphore_mem>>) src(%arg10 : memref<7808xf32, #tpu.memory_space<vmem>>) dst(%dma_wait3A_185 : memref<7808xf32, #tpu.memory_space<hbm>>)
      } else {
      }
      %parallel_loop3A = arith.constant 0 : i32
      %parallel_loop3A_101 = arith.constant 7808 : i32
      %parallel_loop3A_102 = arith.constant 16 : i32
      scf.for %parallel_loop3A_184 = %parallel_loop3A to %parallel_loop3A_101 step %parallel_loop3A_102  : i32 {
        %parallel_loop3A_185 = arith.index_cast %parallel_loop3A_184 : i32 to index
        %parallel_loop3A_186 = tpu.vector_load %arg6[%parallel_loop3A_185] {strides = array<i32>} : memref<7808xi32, #tpu.memory_space<vmem>>, vector<16xi32>,
        %parallel_loop3A_187 = tpu.vector_load_idx %arg5[%parallel_loop3A_186] : memref<128xf32, #tpu.memory_space<vmem>>[vector<16xi32>], vector<16xf32>,
        %parallel_loop3A_188 = arith.index_cast %parallel_loop3A_184 : i32 to index
        %parallel_loop3A_189 = tpu.vector_load %arg10[%parallel_loop3A_188] {strides = array<i32>} : memref<7808xf32, #tpu.memory_space<vmem>>, vector<16xf32>,
        tpu.vector_store %arg10[%parallel_loop3A_188], %parallel_loop3A_187 {strides = array<i32>} : memref<7808xf32, #tpu.memory_space<vmem>>, vector<16xf32>,
      } {sc.loop_unroll_factor = 4 : i64, sc.parallel_access}
      %dma_start3A_103 = tpu.memref_slice %arg4[%add3A_94] : memref<2000000xf32, #tpu.memory_space<hbm>> -> memref<7808xf32, #tpu.memory_space<hbm>>
      %dma_start3A_104 = tpu.memref_slice %arg4[%add3A_94] : memref<2000000xf32, #tpu.memory_space<hbm>> -> memref<7808xf32, #tpu.memory_space<hbm>>
      tpu.enqueue_dma source(%arg10 : memref<7808xf32, #tpu.memory_space<vmem>>) target(%dma_start3A_104 : memref<7808xf32, #tpu.memory_space<hbm>>) target_semaphore(%arg21 : memref<!tpu.dma_semaphore, #tpu.memory_space<semaphore_mem>>)
      %add3A_105 = arith.constant 4 : i32
      %add3A_106 = arith.addi %add3A_91, %add3A_105 : i32
      %lt3A_107 = arith.constant 8 : i32
      %lt3A_108 = arith.cmpi slt, %add3A_106, %lt3A_107 : i32
      %convert_element_type3A_109 = arith.extui %lt3A_108 : i1 to i32
      %cond3A_110 = arith.constant 0 : i32
      %cond3A_111 = arith.cmpi ne, %convert_element_type3A_109, %cond3A_110 : i32
      scf.if %cond3A_111 {
        %add3A_184 = arith.constant 4 : i32
        %add3A_185 = arith.addi %add3A_91, %add3A_184 : i32
        %mul3A_186 = arith.constant 7808 : i32
        %mul3A_187 = arith.muli %add3A_185, %mul3A_186 : i32
        %add3A_188 = arith.addi %mul3A_2, %mul3A_187 : i32
        %dma_start3A_189 = tpu.memref_slice %arg2[%add3A_188] : memref<2000000xi32, #tpu.memory_space<hbm>> -> memref<7808xi32, #tpu.memory_space<hbm>>
        %dma_start3A_190 = tpu.memref_slice %arg2[%add3A_188] : memref<2000000xi32, #tpu.memory_space<hbm>> -> memref<7808xi32, #tpu.memory_space<hbm>>
        tpu.enqueue_dma source(%dma_start3A_190 : memref<7808xi32, #tpu.memory_space<hbm>>) target(%arg6 : memref<7808xi32, #tpu.memory_space<vmem>>) target_semaphore(%arg17 : memref<!tpu.dma_semaphore, #tpu.memory_space<semaphore_mem>>)
      } else {
      }
      %add3A_112 = arith.constant 1 : i32
      %add3A_113 = arith.addi %add3A_89, %add3A_112 : i32
      %mul3A_114 = arith.constant 7808 : i32
      %mul3A_115 = arith.muli %add3A_113, %mul3A_114 : i32
      %add3A_116 = arith.addi %mul3A_2, %mul3A_115 : i32
      %dma_wait3A_117 = tpu.memref_slice %arg2[%add3A_116] : memref<2000000xi32, #tpu.memory_space<hbm>> -> memref<7808xi32, #tpu.memory_space<hbm>>
      %dma_wait3A_118 = tpu.memref_slice %arg2[%add3A_116] : memref<2000000xi32, #tpu.memory_space<hbm>> -> memref<7808xi32, #tpu.memory_space<hbm>>
      tpu.wait_dma2 semaphore(%arg18 : memref<!tpu.dma_semaphore, #tpu.memory_space<semaphore_mem>>) src(%dma_wait3A_118 : memref<7808xi32, #tpu.memory_space<hbm>>) dst(%arg7 : memref<7808xi32, #tpu.memory_space<vmem>>)
      %ge3A_119 = arith.constant 4 : i32
      %ge3A_120 = arith.cmpi sge, %add3A_113, %ge3A_119 : i32
      %convert_element_type3A_121 = arith.extui %ge3A_120 : i1 to i32
      %cond3A_122 = arith.constant 0 : i32
      %cond3A_123 = arith.cmpi ne, %convert_element_type3A_121, %cond3A_122 : i32
      scf.if %cond3A_123 {
        %dma_wait3A_184 = tpu.memref_slice %arg4[%add3A_116] : memref<2000000xf32, #tpu.memory_space<hbm>> -> memref<7808xf32, #tpu.memory_space<hbm>>
        %dma_wait3A_185 = tpu.memref_slice %arg4[%add3A_116] : memref<2000000xf32, #tpu.memory_space<hbm>> -> memref<7808xf32, #tpu.memory_space<hbm>>
        tpu.wait_dma2 semaphore(%arg22 : memref<!tpu.dma_semaphore, #tpu.memory_space<semaphore_mem>>) src(%arg11 : memref<7808xf32, #tpu.memory_space<vmem>>) dst(%dma_wait3A_185 : memref<7808xf32, #tpu.memory_space<hbm>>)
      } else {
      }
      %parallel_loop3A_124 = arith.constant 0 : i32
      %parallel_loop3A_125 = arith.constant 7808 : i32
      %parallel_loop3A_126 = arith.constant 16 : i32
      scf.for %parallel_loop3A_184 = %parallel_loop3A_124 to %parallel_loop3A_125 step %parallel_loop3A_126  : i32 {
        %parallel_loop3A_185 = arith.index_cast %parallel_loop3A_184 : i32 to index
        %parallel_loop3A_186 = tpu.vector_load %arg7[%parallel_loop3A_185] {strides = array<i32>} : memref<7808xi32, #tpu.memory_space<vmem>>, vector<16xi32>,
        %parallel_loop3A_187 = tpu.vector_load_idx %arg5[%parallel_loop3A_186] : memref<128xf32, #tpu.memory_space<vmem>>[vector<16xi32>], vector<16xf32>,
        %parallel_loop3A_188 = arith.index_cast %parallel_loop3A_184 : i32 to index
        %parallel_loop3A_189 = tpu.vector_load %arg11[%parallel_loop3A_188] {strides = array<i32>} : memref<7808xf32, #tpu.memory_space<vmem>>, vector<16xf32>,
        tpu.vector_store %arg11[%parallel_loop3A_188], %parallel_loop3A_187 {strides = array<i32>} : memref<7808xf32, #tpu.memory_space<vmem>>, vector<16xf32>,
      } {sc.loop_unroll_factor = 4 : i64, sc.parallel_access}
      %dma_start3A_127 = tpu.memref_slice %arg4[%add3A_116] : memref<2000000xf32, #tpu.memory_space<hbm>> -> memref<7808xf32, #tpu.memory_space<hbm>>
      %dma_start3A_128 = tpu.memref_slice %arg4[%add3A_116] : memref<2000000xf32, #tpu.memory_space<hbm>> -> memref<7808xf32, #tpu.memory_space<hbm>>
      tpu.enqueue_dma source(%arg11 : memref<7808xf32, #tpu.memory_space<vmem>>) target(%dma_start3A_128 : memref<7808xf32, #tpu.memory_space<hbm>>) target_semaphore(%arg22 : memref<!tpu.dma_semaphore, #tpu.memory_space<semaphore_mem>>)
      %add3A_129 = arith.constant 4 : i32
      %add3A_130 = arith.addi %add3A_113, %add3A_129 : i32
      %lt3A_131 = arith.constant 8 : i32
      %lt3A_132 = arith.cmpi slt, %add3A_130, %lt3A_131 : i32
      %convert_element_type3A_133 = arith.extui %lt3A_132 : i1 to i32
      %cond3A_134 = arith.constant 0 : i32
      %cond3A_135 = arith.cmpi ne, %convert_element_type3A_133, %cond3A_134 : i32
      scf.if %cond3A_135 {
        %add3A_184 = arith.constant 4 : i32
        %add3A_185 = arith.addi %add3A_113, %add3A_184 : i32
        %mul3A_186 = arith.constant 7808 : i32
        %mul3A_187 = arith.muli %add3A_185, %mul3A_186 : i32
        %add3A_188 = arith.addi %mul3A_2, %mul3A_187 : i32
        %dma_start3A_189 = tpu.memref_slice %arg2[%add3A_188] : memref<2000000xi32, #tpu.memory_space<hbm>> -> memref<7808xi32, #tpu.memory_space<hbm>>
        %dma_start3A_190 = tpu.memref_slice %arg2[%add3A_188] : memref<2000000xi32, #tpu.memory_space<hbm>> -> memref<7808xi32, #tpu.memory_space<hbm>>
        tpu.enqueue_dma source(%dma_start3A_190 : memref<7808xi32, #tpu.memory_space<hbm>>) target(%arg7 : memref<7808xi32, #tpu.memory_space<vmem>>) target_semaphore(%arg18 : memref<!tpu.dma_semaphore, #tpu.memory_space<semaphore_mem>>)
      } else {
      }
      %add3A_136 = arith.constant 2 : i32
      %add3A_137 = arith.addi %add3A_89, %add3A_136 : i32
      %mul3A_138 = arith.constant 7808 : i32
      %mul3A_139 = arith.muli %add3A_137, %mul3A_138 : i32
      %add3A_140 = arith.addi %mul3A_2, %mul3A_139 : i32
      %dma_wait3A_141 = tpu.memref_slice %arg2[%add3A_140] : memref<2000000xi32, #tpu.memory_space<hbm>> -> memref<7808xi32, #tpu.memory_space<hbm>>
      %dma_wait3A_142 = tpu.memref_slice %arg2[%add3A_140] : memref<2000000xi32, #tpu.memory_space<hbm>> -> memref<7808xi32, #tpu.memory_space<hbm>>
      tpu.wait_dma2 semaphore(%arg19 : memref<!tpu.dma_semaphore, #tpu.memory_space<semaphore_mem>>) src(%dma_wait3A_142 : memref<7808xi32, #tpu.memory_space<hbm>>) dst(%arg8 : memref<7808xi32, #tpu.memory_space<vmem>>)
      %ge3A_143 = arith.constant 4 : i32
      %ge3A_144 = arith.cmpi sge, %add3A_137, %ge3A_143 : i32
      %convert_element_type3A_145 = arith.extui %ge3A_144 : i1 to i32
      %cond3A_146 = arith.constant 0 : i32
      %cond3A_147 = arith.cmpi ne, %convert_element_type3A_145, %cond3A_146 : i32
      scf.if %cond3A_147 {
        %dma_wait3A_184 = tpu.memref_slice %arg4[%add3A_140] : memref<2000000xf32, #tpu.memory_space<hbm>> -> memref<7808xf32, #tpu.memory_space<hbm>>
        %dma_wait3A_185 = tpu.memref_slice %arg4[%add3A_140] : memref<2000000xf32, #tpu.memory_space<hbm>> -> memref<7808xf32, #tpu.memory_space<hbm>>
        tpu.wait_dma2 semaphore(%arg23 : memref<!tpu.dma_semaphore, #tpu.memory_space<semaphore_mem>>) src(%arg12 : memref<7808xf32, #tpu.memory_space<vmem>>) dst(%dma_wait3A_185 : memref<7808xf32, #tpu.memory_space<hbm>>)
      } else {
      }
      %parallel_loop3A_148 = arith.constant 0 : i32
      %parallel_loop3A_149 = arith.constant 7808 : i32
      %parallel_loop3A_150 = arith.constant 16 : i32
      scf.for %parallel_loop3A_184 = %parallel_loop3A_148 to %parallel_loop3A_149 step %parallel_loop3A_150  : i32 {
        %parallel_loop3A_185 = arith.index_cast %parallel_loop3A_184 : i32 to index
        %parallel_loop3A_186 = tpu.vector_load %arg8[%parallel_loop3A_185] {strides = array<i32>} : memref<7808xi32, #tpu.memory_space<vmem>>, vector<16xi32>,
        %parallel_loop3A_187 = tpu.vector_load_idx %arg5[%parallel_loop3A_186] : memref<128xf32, #tpu.memory_space<vmem>>[vector<16xi32>], vector<16xf32>,
        %parallel_loop3A_188 = arith.index_cast %parallel_loop3A_184 : i32 to index
        %parallel_loop3A_189 = tpu.vector_load %arg12[%parallel_loop3A_188] {strides = array<i32>} : memref<7808xf32, #tpu.memory_space<vmem>>, vector<16xf32>,
        tpu.vector_store %arg12[%parallel_loop3A_188], %parallel_loop3A_187 {strides = array<i32>} : memref<7808xf32, #tpu.memory_space<vmem>>, vector<16xf32>,
      } {sc.loop_unroll_factor = 4 : i64, sc.parallel_access}
      %dma_start3A_151 = tpu.memref_slice %arg4[%add3A_140] : memref<2000000xf32, #tpu.memory_space<hbm>> -> memref<7808xf32, #tpu.memory_space<hbm>>
      %dma_start3A_152 = tpu.memref_slice %arg4[%add3A_140] : memref<2000000xf32, #tpu.memory_space<hbm>> -> memref<7808xf32, #tpu.memory_space<hbm>>
      tpu.enqueue_dma source(%arg12 : memref<7808xf32, #tpu.memory_space<vmem>>) target(%dma_start3A_152 : memref<7808xf32, #tpu.memory_space<hbm>>) target_semaphore(%arg23 : memref<!tpu.dma_semaphore, #tpu.memory_space<semaphore_mem>>)
      %add3A_153 = arith.constant 4 : i32
      %add3A_154 = arith.addi %add3A_137, %add3A_153 : i32
      %lt3A_155 = arith.constant 8 : i32
      %lt3A_156 = arith.cmpi slt, %add3A_154, %lt3A_155 : i32
      %convert_element_type3A_157 = arith.extui %lt3A_156 : i1 to i32
      %cond3A_158 = arith.constant 0 : i32
      %cond3A_159 = arith.cmpi ne, %convert_element_type3A_157, %cond3A_158 : i32
      scf.if %cond3A_159 {
        %add3A_184 = arith.constant 4 : i32
        %add3A_185 = arith.addi %add3A_137, %add3A_184 : i32
        %mul3A_186 = arith.constant 7808 : i32
        %mul3A_187 = arith.muli %add3A_185, %mul3A_186 : i32
        %add3A_188 = arith.addi %mul3A_2, %mul3A_187 : i32
        %dma_start3A_189 = tpu.memref_slice %arg2[%add3A_188] : memref<2000000xi32, #tpu.memory_space<hbm>> -> memref<7808xi32, #tpu.memory_space<hbm>>
        %dma_start3A_190 = tpu.memref_slice %arg2[%add3A_188] : memref<2000000xi32, #tpu.memory_space<hbm>> -> memref<7808xi32, #tpu.memory_space<hbm>>
        tpu.enqueue_dma source(%dma_start3A_190 : memref<7808xi32, #tpu.memory_space<hbm>>) target(%arg8 : memref<7808xi32, #tpu.memory_space<vmem>>) target_semaphore(%arg19 : memref<!tpu.dma_semaphore, #tpu.memory_space<semaphore_mem>>)
      } else {
      }
      %add3A_160 = arith.constant 3 : i32
      %add3A_161 = arith.addi %add3A_89, %add3A_160 : i32
      %mul3A_162 = arith.constant 7808 : i32
      %mul3A_163 = arith.muli %add3A_161, %mul3A_162 : i32
      %add3A_164 = arith.addi %mul3A_2, %mul3A_163 : i32
      %dma_wait3A_165 = tpu.memref_slice %arg2[%add3A_164] : memref<2000000xi32, #tpu.memory_space<hbm>> -> memref<7808xi32, #tpu.memory_space<hbm>>
      %dma_wait3A_166 = tpu.memref_slice %arg2[%add3A_164] : memref<2000000xi32, #tpu.memory_space<hbm>> -> memref<7808xi32, #tpu.memory_space<hbm>>
      tpu.wait_dma2 semaphore(%arg20 : memref<!tpu.dma_semaphore, #tpu.memory_space<semaphore_mem>>) src(%dma_wait3A_166 : memref<7808xi32, #tpu.memory_space<hbm>>) dst(%arg9 : memref<7808xi32, #tpu.memory_space<vmem>>)
      %ge3A_167 = arith.constant 4 : i32
      %ge3A_168 = arith.cmpi sge, %add3A_161, %ge3A_167 : i32
      %convert_element_type3A_169 = arith.extui %ge3A_168 : i1 to i32
      %cond3A_170 = arith.constant 0 : i32
      %cond3A_171 = arith.cmpi ne, %convert_element_type3A_169, %cond3A_170 : i32
      scf.if %cond3A_171 {
        %dma_wait3A_184 = tpu.memref_slice %arg4[%add3A_164] : memref<2000000xf32, #tpu.memory_space<hbm>> -> memref<7808xf32, #tpu.memory_space<hbm>>
        %dma_wait3A_185 = tpu.memref_slice %arg4[%add3A_164] : memref<2000000xf32, #tpu.memory_space<hbm>> -> memref<7808xf32, #tpu.memory_space<hbm>>
        tpu.wait_dma2 semaphore(%arg24 : memref<!tpu.dma_semaphore, #tpu.memory_space<semaphore_mem>>) src(%arg13 : memref<7808xf32, #tpu.memory_space<vmem>>) dst(%dma_wait3A_185 : memref<7808xf32, #tpu.memory_space<hbm>>)
      } else {
      }
      %parallel_loop3A_172 = arith.constant 0 : i32
      %parallel_loop3A_173 = arith.constant 7808 : i32
      %parallel_loop3A_174 = arith.constant 16 : i32
      scf.for %parallel_loop3A_184 = %parallel_loop3A_172 to %parallel_loop3A_173 step %parallel_loop3A_174  : i32 {
        %parallel_loop3A_185 = arith.index_cast %parallel_loop3A_184 : i32 to index
        %parallel_loop3A_186 = tpu.vector_load %arg9[%parallel_loop3A_185] {strides = array<i32>} : memref<7808xi32, #tpu.memory_space<vmem>>, vector<16xi32>,
        %parallel_loop3A_187 = tpu.vector_load_idx %arg5[%parallel_loop3A_186] : memref<128xf32, #tpu.memory_space<vmem>>[vector<16xi32>], vector<16xf32>,
        %parallel_loop3A_188 = arith.index_cast %parallel_loop3A_184 : i32 to index
        %parallel_loop3A_189 = tpu.vector_load %arg13[%parallel_loop3A_188] {strides = array<i32>} : memref<7808xf32, #tpu.memory_space<vmem>>, vector<16xf32>,
        tpu.vector_store %arg13[%parallel_loop3A_188], %parallel_loop3A_187 {strides = array<i32>} : memref<7808xf32, #tpu.memory_space<vmem>>, vector<16xf32>,
      } {sc.loop_unroll_factor = 4 : i64, sc.parallel_access}
      %dma_start3A_175 = tpu.memref_slice %arg4[%add3A_164] : memref<2000000xf32, #tpu.memory_space<hbm>> -> memref<7808xf32, #tpu.memory_space<hbm>>
      %dma_start3A_176 = tpu.memref_slice %arg4[%add3A_164] : memref<2000000xf32, #tpu.memory_space<hbm>> -> memref<7808xf32, #tpu.memory_space<hbm>>
      tpu.enqueue_dma source(%arg13 : memref<7808xf32, #tpu.memory_space<vmem>>) target(%dma_start3A_176 : memref<7808xf32, #tpu.memory_space<hbm>>) target_semaphore(%arg24 : memref<!tpu.dma_semaphore, #tpu.memory_space<semaphore_mem>>)
      %add3A_177 = arith.constant 4 : i32
      %add3A_178 = arith.addi %add3A_161, %add3A_177 : i32
      %lt3A_179 = arith.constant 8 : i32
      %lt3A_180 = arith.cmpi slt, %add3A_178, %lt3A_179 : i32
      %convert_element_type3A_181 = arith.extui %lt3A_180 : i1 to i32
      %cond3A_182 = arith.constant 0 : i32
      %cond3A_183 = arith.cmpi ne, %convert_element_type3A_181, %cond3A_182 : i32
      scf.if %cond3A_183 {
        %add3A_184 = arith.constant 4 : i32
        %add3A_185 = arith.addi %add3A_161, %add3A_184 : i32
        %mul3A_186 = arith.constant 7808 : i32
        %mul3A_187 = arith.muli %add3A_185, %mul3A_186 : i32
        %add3A_188 = arith.addi %mul3A_2, %mul3A_187 : i32
        %dma_start3A_189 = tpu.memref_slice %arg2[%add3A_188] : memref<2000000xi32, #tpu.memory_space<hbm>> -> memref<7808xi32, #tpu.memory_space<hbm>>
        %dma_start3A_190 = tpu.memref_slice %arg2[%add3A_188] : memref<2000000xi32, #tpu.memory_space<hbm>> -> memref<7808xi32, #tpu.memory_space<hbm>>
        tpu.enqueue_dma source(%dma_start3A_190 : memref<7808xi32, #tpu.memory_space<hbm>>) target(%arg9 : memref<7808xi32, #tpu.memory_space<vmem>>) target_semaphore(%arg20 : memref<!tpu.dma_semaphore, #tpu.memory_space<semaphore_mem>>)
      } else {
      }
    }
    %scan3A_77 = arith.constant 2 : i32
    %dma_wait3A = tpu.memref_slice %arg4[%mul3A_2] : memref<2000000xf32, #tpu.memory_space<hbm>> -> memref<7808xf32, #tpu.memory_space<hbm>>
    %dma_wait3A_78 = tpu.memref_slice %arg4[%mul3A_2] : memref<2000000xf32, #tpu.memory_space<hbm>> -> memref<7808xf32, #tpu.memory_space<hbm>>
    tpu.wait_dma2 semaphore(%arg21 : memref<!tpu.dma_semaphore, #tpu.memory_space<semaphore_mem>>) src(%arg10 : memref<7808xf32, #tpu.memory_space<vmem>>) dst(%dma_wait3A_78 : memref<7808xf32, #tpu.memory_space<hbm>>)
    %dma_wait3A_79 = tpu.memref_slice %arg4[%mul3A_2] : memref<2000000xf32, #tpu.memory_space<hbm>> -> memref<7808xf32, #tpu.memory_space<hbm>>
    %dma_wait3A_80 = tpu.memref_slice %arg4[%mul3A_2] : memref<2000000xf32, #tpu.memory_space<hbm>> -> memref<7808xf32, #tpu.memory_space<hbm>>
    tpu.wait_dma2 semaphore(%arg22 : memref<!tpu.dma_semaphore, #tpu.memory_space<semaphore_mem>>) src(%arg11 : memref<7808xf32, #tpu.memory_space<vmem>>) dst(%dma_wait3A_80 : memref<7808xf32, #tpu.memory_space<hbm>>)
    %dma_wait3A_81 = tpu.memref_slice %arg4[%mul3A_2] : memref<2000000xf32, #tpu.memory_space<hbm>> -> memref<7808xf32, #tpu.memory_space<hbm>>
    %dma_wait3A_82 = tpu.memref_slice %arg4[%mul3A_2] : memref<2000000xf32, #tpu.memory_space<hbm>> -> memref<7808xf32, #tpu.memory_space<hbm>>
    tpu.wait_dma2 semaphore(%arg23 : memref<!tpu.dma_semaphore, #tpu.memory_space<semaphore_mem>>) src(%arg12 : memref<7808xf32, #tpu.memory_space<vmem>>) dst(%dma_wait3A_82 : memref<7808xf32, #tpu.memory_space<hbm>>)
    %dma_wait3A_83 = tpu.memref_slice %arg4[%mul3A_2] : memref<2000000xf32, #tpu.memory_space<hbm>> -> memref<7808xf32, #tpu.memory_space<hbm>>
    %dma_wait3A_84 = tpu.memref_slice %arg4[%mul3A_2] : memref<2000000xf32, #tpu.memory_space<hbm>> -> memref<7808xf32, #tpu.memory_space<hbm>>
    tpu.wait_dma2 semaphore(%arg24 : memref<!tpu.dma_semaphore, #tpu.memory_space<semaphore_mem>>) src(%arg13 : memref<7808xf32, #tpu.memory_space<vmem>>) dst(%dma_wait3A_84 : memref<7808xf32, #tpu.memory_space<hbm>>)
    return
  }
}

</mosaic_0001>

<sc_bundles>
// kernel: kernel.3.cloned.1.call-start
scs
__scs_entry_jumppad:
0x0: {  	(pc) =	sbr.rel $0x88, $3  }
0x1: {  	(tag) =	ssettag $0x0;
	lr =	simm.s32 $0x1  }
0x2: {  	[smem:$0x3F9F] =	sst lr;
	_ =	strace $0xD0000000  }
0x3: {  	_ = 	snop  }
0x4: {  	_ = 	snop  }
0x5: {  	_ = 	snop  }
0x6: {  	_ = 	snop  }
0x7: {  	_ = 	snop  }
__scs_overlays_trampoline_lowered:
0x8: {  	[smem:$0x3FAE] =	sst s0  }
0x9: {  	[smem:$0x3FAF] =	sst s1  }
0xa: {  	[smem:$0x3FB0] =	sst s2  }
0xb: {  	[smem:$0x3FB1] =	sst s3  }
0xc: {  	[smem:$0x3FB2] =	sst s4  }
0xd: {  	[smem:$0x3FB3] =	sst s5  }
0xe: {  	[smem:$0x3FB4] =	sst s6  }
0xf: {  	[smem:$0x3FB5] =	sst s7  }
0x10: {  	[smem:$0x3FB6] =	sst s8  }
0x11: {  	[smem:$0x3FB7] =	sst s9;
	s0 =	simm.s32 @!p0 $0x0  }
0x12: {  	s1 =	sld [smem:$0x3F9D];
	s0 =	simm.s32 @p0 $0x1  }
0x13: {  	[smem:$0x3FB8] =	sst s0;
	s0 =	simm.s32 @!p1 $0x0  }
0x14: {  	s2 =	sld [smem:$0x3F9C];
	s0 =	simm.s32 @p1 $0x1  }
0x15: {  	[smem:$0x3FB9] =	sst s0;
	s0 =	simm.s32 @!p2 $0x0  }
0x16: {  	s3 =	sld [smem:$0x3FDB];
	s0 =	simm.s32 @p2 $0x1  }
0x17: {  	s4 =	simm.s32 $0x1BF5;
	[smem:$0x3FBB] =	sst s0  }
0x18: {  	s0 =	sld [smem:$0x3F9E];
	_ =	swait.ge [sflag:s4], $0x0  }
0x19: {  	s7 =	sld [smem:$0x3F9F]  }
0x1a: {  	s8 =	sadd.s32 $0xFFFFE003, lr  }
0x1b: {  	s9 =	sadd.s32 $0xFFFFFEF7, lr;
	s5 =	simm.s32 $0xFFFFFFFF;
	p2 =	slt.u32 s8, $0xFFFFF086  }
0x1c: {  	p1 =	slt.u32 s9, $0xF7A;
	s5 =	simm.s32 @!p2 $0x0  }
0x1d: {  	s5 =	simm.s32 @p1 $0x1;
	p0 =	seq.s32 s7, s2  }
0x1e: {  	s7 =	smul.u32 @!p0 $0xF7A, s2;
	p2 =	seq.s32 @!p0 s5, $0x0  }
0x1f: {  	s9 =	smul.u32 $0xF7A, s1;
	s8 =	simm.s32 @!p0 $0x1BF5;
	p2 =	por !p2, p0  }
0x20: {  	[sflag:s8] =	ssyncset.s32 @!p0 $0xFFFFF086;
	s6 =	sadd.s32 @!p0 s3, s7;
	s7 =	simm.s32 @!p0 $0x108  }
0x21: {  	s3 =	sadd.s32 s3, s9;
	s6 =	sadd.s32 @!p0 $0x88, s6;
	s7 =	simm.s32 @p2 $0x1082  }
0x22: {  	[simem:s7], [sflag:s8] =	dma.local @!p0 [hbm:s6], $0xF7A  }
0x23: {  	s9 =	sor.u32 $0xD0000000, s2;
	s6 =	simm.s32 $0x108;
	_ =	swait.ge @!p0 [sflag:s8], $0x0  }
0x24: {  	s3 =	sadd.s32 $0x88, s3;
	s6 =	simm.s32 @!p1 $0x1082;
	[sflag:s4] =	ssyncset.s32 $0xFFFFF086  }
0x25: {  	[simem:s6], [sflag:s4] =	dma.local [hbm:s3], $0xF7A  }
0x26: {  	[smem:$0x3F9F] =	sst s1;
	(tag) =	ssettag s2;
	_ =	strace s9  }
0x27: {  	s1 =	sld [smem:$0x3FAF]  }
0x28: {  	s2 =	sld [smem:$0x3FB0]  }
0x29: {  	s4 =	sld [smem:$0x3FB2]  }
0x2a: {  	p0 =	seq.s32 s5, $0x0;
	s5 =	sld [smem:$0x3FB3]  }
0x2b: {  	s6 =	sld [smem:$0x3FB4]  }
0x2c: {  	s7 =	sld [smem:$0x3FB5]  }
0x2d: {  	s3 =	simm.s32 $0x108;
	s8 =	sld [smem:$0x3FB6]  }
0x2e: {  	s3 =	simm.s32 @!p0 $0x1082;
	s9 =	sld [smem:$0x3FB7]  }
0x2f: {  	lr =	sadd.s32 s0, s3;
	s0 =	sld [smem:$0x3FAE]  }
0x30: {  	s3 =	sld [smem:$0x3FB1]  }
0x31: {  	[smem:$0x3FBA] =	sst s10  }
0x32: {  	s10 =	sld [smem:$0x3FB8];
	_ =	sdelay $0x3  }
0x33: {  	p0 =	seq.s32 s10, $0x1;
	s10 =	sld [smem:$0x3FBA];
	_ =	sdelay $0x3  }
0x34: {  	[smem:$0x3FBA] =	sst s10  }
0x35: {  	s10 =	sld [smem:$0x3FB9];
	_ =	sdelay $0x3  }
0x36: {  	p1 =	seq.s32 s10, $0x1;
	s10 =	sld [smem:$0x3FBA];
	_ =	sdelay $0x3  }
0x37: {  	[smem:$0x3FBA] =	sst s10  }
0x38: {  	s10 =	sld [smem:$0x3FBB]  }
0x39: {  	_ = 	snop;
	(pc) =	sbr.ind lr, $3  }
0x3a: {  	_ = 	snop  }
0x3b: {  	_ = 	snop  }
0x3c: {  	p2 =	seq.s32 s10, $0x1;
	s10 =	sld [smem:$0x3FBA]  }
0x3d: {  	_ =	shalt  }
0x3e: {  	_ =	shalt  }
0x3f: {  	_ =	shalt  }
0x40: {  	_ =	shalt  }
0x41: {  	_ =	shalt  }
0x42: {  	_ =	shalt  }
0x43: {  	_ =	shalt  }
0x44: {  	_ =	shalt  }
0x45: {  	_ =	shalt  }
0x46: {  	_ =	shalt  }
0x47: {  	_ =	shalt  }
0x48: {  	_ =	shalt  }
0x49: {  	_ =	shalt  }
0x4a: {  	_ =	shalt  }
0x4b: {  	_ =	shalt  }
0x4c: {  	_ =	shalt  }
0x4d: {  	_ =	shalt  }
0x4e: {  	_ =	shalt  }
0x4f: {  	_ =	shalt  }
0x50: {  	_ =	shalt  }
0x51: {  	_ =	shalt  }
0x52: {  	_ =	shalt  }
0x53: {  	_ =	shalt  }
0x54: {  	_ =	shalt  }
0x55: {  	_ =	shalt  }
0x56: {  	_ =	shalt  }
0x57: {  	_ =	shalt  }
0x58: {  	_ =	shalt  }
0x59: {  	_ =	shalt  }
0x5a: {  	_ =	shalt  }
0x5b: {  	_ =	shalt  }
0x5c: {  	_ =	shalt  }
0x5d: {  	_ =	shalt  }
0x5e: {  	_ =	shalt  }
0x5f: {  	_ =	shalt  }
0x60: {  	_ =	shalt  }
0x61: {  	_ =	shalt  }
0x62: {  	_ =	shalt  }
0x63: {  	_ =	shalt  }
0x64: {  	_ =	shalt  }
0x65: {  	_ =	shalt  }
0x66: {  	_ =	shalt  }
0x67: {  	_ =	shalt  }
0x68: {  	_ =	shalt  }
0x69: {  	_ =	shalt  }
0x6a: {  	_ =	shalt  }
0x6b: {  	_ =	shalt  }
0x6c: {  	_ =	shalt  }
0x6d: {  	_ =	shalt  }
0x6e: {  	_ =	shalt  }
0x6f: {  	_ =	shalt  }
0x70: {  	_ =	shalt  }
0x71: {  	_ =	shalt  }
0x72: {  	_ =	shalt  }
0x73: {  	_ =	shalt  }
0x74: {  	_ =	shalt  }
0x75: {  	_ =	shalt  }
0x76: {  	_ =	shalt  }
0x77: {  	_ =	shalt  }
0x78: {  	_ =	shalt  }
0x79: {  	_ =	shalt  }
0x7a: {  	_ =	shalt  }
0x7b: {  	_ =	shalt  }
0x7c: {  	_ =	shalt  }
0x7d: {  	_ =	shalt  }
0x7e: {  	_ =	shalt  }
0x7f: {  	_ =	shalt  }
0x80: {  	_ =	shalt  }
0x81: {  	_ =	shalt  }
0x82: {  	_ =	shalt  }
0x83: {  	_ =	shalt  }
0x84: {  	_ =	shalt  }
0x85: {  	_ =	shalt  }
0x86: {  	_ =	shalt  }
0x87: {  	_ =	shalt  }
.Lfunc_end0:
.L_simem_size_0:
called_computation_lowered:
.L_overlay_start_0:
0x88: {  	s2 =	sld [smem:$0x3FD9]  }
0x89: {  	s3 =	sld [smem:$0x3FFE];
	_ =	sdelay $0x1  }
0x8a: {  	s1 =	srdreg.scid  }
0x8b: {  	s0 =	sand.u32 $0x1, s1  }
0x8c: {  	s18 =	sshll.u32 s0, $0xA;
	s2 =	sadd.s32 s3, s2  }
0x8d: {  	s2 =	sadd.s32 s2, s18  }
0x8e: {  	[smem:$0x3FC6] =	sst s2  }
0x8f: {  	_ = 	snop  }
0x90: {  	s2 =	sld [smem:$0x3FC9]  }
0x91: {  	s19 =	sld [smem:$0x3FC8]  }
0x92: {  	s4 =	sld [smem:$0x3FD0];
	(tm) =	ssettm $0x1  }
0x93: {  	s5 =	sld [smem:$0x3FFB];
	_ =	sdelay $0x3  }
0x94: {  	_ =	strace s5  }
0x95: {  	s5 =	sld [smem:$0x3FFC];
	_ =	sdelay $0x3  }
0x96: {  	_ =	strace s5  }
0x97: {  	s5 =	sld [smem:$0x3FFD];
	_ =	sdelay $0x3  }
0x98: {  	_ =	strace s5  }
0x99: {  	_ =	strace $0x8FFFFFFF  }
0x9a: {  	s20 =	sld [smem:$0x3FDB];
	_ =	sdelay $0x1  }
0x9b: {  	s6 =	simm.s32 $_scs_section_size  }
0x9c: {  	s7 =	simm.s32 $_size__tile_overlayer_lowered;
	s8 =	simm.s32 $_tile_overlayer_lowered  }
0x9d: {  	s23 =	simm.s32 $0x1BFF;
	s22 =	sshll.u32 s8, $0x1;
	s5 =	sadd.s32 s6, s20  }
0x9e: {  	s9 =	simm.s32 $0x0;
	s21 =	sshll.u32 s7, $0x1;
	s7 =	sadd.s32 s22, s5  }
0x9f: {  	[timem:s9], [sflag:s23] =	dma.local [hbm:s7], s21  }
0xa0: {  	_ =	swait.ge [sflag:s23], s21  }
0xa1: {  	s6 =	ssub.s32 $0x0, s21;
	[sflag:s23] =	ssyncset.done $0x0  }
0xa2: {  	[sflag:s23] =	ssyncadd.s32 s6;
	_ =	sdelay $0x1  }
0xa3: {  	s24 =	simm.s32 $0x1B8B  }
0xa4: {  	_ =	swait.ge [sflag:s24], $0x1  }
0xa5: {  	[sflag:s24] =	ssyncset.done $0x0  }
0xa6: {  	s25 =	simm.s32 $0x1B8E;
	[sflag:s24] =	ssyncadd.s32 $0xFFFFFFFF  }
0xa7: {  	s26 =	simm.s32 $execute0_lowered;
	[smem:$0x3FD2] =	sst s25  }
0xa8: {  	s6 =	sshll.u32 s26, $0x1;
	_ =	strace $0x80000046;
	[dreg:$0x1] =	wrdreg $0xFFFFFFFF  }
0xa9: {  	s28 =	simm.s32 $_size_execute0_lowered;
	s5 =	sadd.s32 s5, s6;
	[dreg:$0x0] =	wrdreg $0x0  }
0xaa: {  	s6 =	sshll.u32 s28, $0x1;
	[dreg:$0x2] =	wrdreg s5  }
0xab: {  	[dreg:$0x3] =	wrdreg s6  }
0xac: {  	[dreg:$0x4] =	wrdreg $0xC0  }
0xad: {  	_ =	task [dreg:s9], $0x5FFFF  }
0xae: {  	[dreg:$0x1] =	wrdreg $0xFFFFFFFF  }
0xaf: {  	[dreg:$0x0] =	wrdreg $0x60  }
0xb0: {  	[dreg:$0x2] =	wrdreg s2  }
0xb1: {  	[dreg:$0x3] =	wrdreg s19  }
0xb2: {  	[dreg:$0x4] =	wrdreg s4  }
0xb3: {  	[dreg:$0x5] =	wrdreg $0x9  }
0xb4: {  	_ =	task.clear_ibuf [dreg:s9], $0x6FFFF;
	_ =	strace $0x90000046  }
0xb5: {  	s29 =	simm.s32 $0x9;
	_ =	strace $0x80000048  }
0xb6: {  	_ =	swait.ge [sflag:s29], $0x1  }
0xb7: {  	[sflag:s29] =	ssyncadd.s32 $0xFFFFFFFF  }
0xb8: {  	_ =	strace $0x90000048  }
0xb9: {  	_ =	sfence  }
0xba: {  	s30 =	sld [smem:$0x0];
	_ =	sdelay $0x2  }
0xbb: {  	s31 =	sshll.u32 s1, $0xD;
	s1 =	sshrl.u32 s1, $0x2  }
0xbc: {  	s3 =	sand.u32 $0x4000, s31;
	s1 =	sadd.s32 s1, s30  }
0xbd: {  	s0 =	sor.u32 s3, s0;
	s1 =	sshll.u32 s1, $0x11  }
0xbe: {  	s0 =	sor.u32 s1, s0  }
0xbf: {  	s0 =	sadd.s32 $0x8F2B, s0  }
0xc0: {  	[sflag:s0] =	ssyncadd.remote.s32 $0x1  }
0xc1: {  	_ =	sfence.sel $0xFFFF  }
0xc2: {  	[dreg:$0x0] =	wrdreg $0xFFFFFFFF;
	(pc) =	sbr.abs _section_cstart, $3  }
0xc3: {  	[dreg:$0x1] =	wrdreg $0xFFFFFFFF  }
0xc4: {  	_ =	task.clear_ibuf [dreg:s9], $0x2FFFF;
	_ =	strace $0x9FFFFFFF  }
0xc5: {  	(tm) =	ssettm $0x7FFFFFFF  }
tec
execute0_lowered:
.L_overlay_start_1:
0x0: {  	(tag) =	ssettag $0x1  }
0x1: {  	s0 =	rddreg [dreg:$0x0]  }
0x2: {  	s1 =	srdreg.scid;
	s2 =	stileid.u32  }
0x3: {  	s3 =	rddreg [dreg:$0x2];
	s4 =	simm.s32 $0x0;
	s28 =	simm.s32 $0x7A80  }
0x4: {  	s29 =	simm.s32 $0x2;
	s30 =	simm.s32 $0x9900;
	s31 =	simm.s32 $0x3  }
0x5: {  	s20 =	simm.s32 $0x5;
	s1 =	sand.u32 $0x1, s1;
	s2 =	sshll.u32 s2, $0x1  }
0x6: {  	[smem:$0x7FF] =	sst s4;
	s2 =	sor.u32 s1, s2;
	s1 =	ssub.s32 $0x2, s1  }
0x7: {  	_ =	strace $0x80000047;
	s5 =	smul.u32 $0xF400, s2;
	s7 =	sshrl.u32 s1, $0x1  }
0x8: {  	s12 =	sshll.u32 s2, $0x4;
	p0 =	sgt.u32 s2, $0x8;
	s2 =	simm.s32 $0xD600  }
0x9: {  	s1 =	ssub.s32 s1, s7;
	s24 =	sor.u32 $0x3D000, s12;
	s8 =	sshrl.u32 s5, $0x3  }
0xa: {  	s6 =	sadd.s32 $0x1E80, s5;
	s9 =	sadd.s32 $0x3D00, s5;
	s10 =	sadd.s32 $0x5B80, s5  }
0xb: {  	s25 =	sadd.s32 s3, s24;
	s26 =	smax.u32 s1, $0x1;
	s1 =	simm.s32 $0xB780  }
0xc: {  	s7 =	sadd.s32 s0, s8;
	s21 =	sshrl.u32 s6, $0x3;
	[dreg:$0x8] =	wrdreg s25  }
0xd: {  	s22 =	sshrl.u32 s9, $0x3;
	s11 =	sshrl.u32 s10, $0x3;
	[dreg:$0x9] =	wrdreg s26  }
0xe: {  	s25 =	simm.s32 $0x9;
	s26 =	simm.s32 $0x1;
	s8 =	sadd.s32 s0, s21  }
0xf: {  	s23 =	sadd.s32 s0, s11;
	s15 =	sadd.s32 $0xF40, s7;
	s16 =	sadd.s32 $0x1310, s7  }
.Ltmp0:
0x10: {  	s17 =	sadd.s32 $0x16E0, s7;
	s18 =	sadd.s32 $0x1AB0, s7;
	(pc) =	sbr.rel .LBB2_1-.Ltmp0, $4  }
0x11: {  	s21 =	simm.s32 $0x6;
	[dreg:$0x4] =	wrdreg s8;
	s8 =	sadd.s32 s0, s22  }
0x12: {  	[dreg:$0x6] =	wrdreg s23;
	s0 =	sadd.s32 s0, s24;
	s23 =	simm.s32 $0x5C00  }
0x13: {  	s22 =	simm.s32 $0x7;
	s24 =	simm.s32 $0x8;
	[dreg:$0x5] =	wrdreg s8  }
0x14: {  	[dreg:$0x7] =	wrdreg s0;
	s0 =	simm.s32 $0x4;
	s8 =	simm.s32 $0x0  }
.LBB2_12:
0x15: {  	_ =	swait.ge [sflag:s20], $0x1E80  }
0x16: {  	[sflag:s20] =	ssyncset.done $0x0  }
0x17: {  	[sflag:s20] =	ssyncadd.s32 $0xFFFFE180  }
0x18: {  	_ =	swait.ge [sflag:s21], $0x1E80  }
0x19: {  	[sflag:s21] =	ssyncset.done $0x0  }
0x1a: {  	[sflag:s21] =	ssyncadd.s32 $0xFFFFE180  }
0x1b: {  	_ =	swait.ge [sflag:s22], $0x1E80  }
0x1c: {  	[sflag:s22] =	ssyncset.done $0x0  }
0x1d: {  	[sflag:s22] =	ssyncadd.s32 $0xFFFFE180  }
0x1e: {  	_ =	swait.ge [sflag:s24], $0x1E80  }
0x1f: {  	s8 =	sadd.s32 $0x1, s8;
	s11 =	rddreg [dreg:$0x9]  }
0x20: {  	p1 =	sne.s32 s8, s11  }
.Ltmp1:
0x21: {  	_ = 	snop;
	(pc) =	sbr.rel @!p1 .LBB2_13-.Ltmp1, $3  }
0x22: {  	_ =	sdelay $0x1  }
0x23: {  	[sflag:s24] =	ssyncset.done $0x0  }
0x24: {  	[sflag:s24] =	ssyncadd.s32 $0xFFFFE180  }
.LBB2_1:
0x25: {  	s11 =	simm.s32 $0x80  }
0x26: {  	[tilespmem:s11], [sflag:$0x1] =	stream.linear.gather [hbm4b:s7+s4], $0x1E80, $0x38;
	[tilespmem:$0xF600] =	vst v63  }
0x27: {  	s13 =	rddreg [dreg:$0x4];
	s12 =	simm.s32 $0x1F00  }
0x28: {  	[tilespmem:s12], [sflag:$0x2] =	stream.linear.gather [hbm4b:s13+s4], $0x1E80, $0x38;
	[tilespmem:$0xF600] =	vst v63  }
0x29: {  	s14 =	rddreg [dreg:$0x5];
	s19 =	simm.s32 $0x3D80  }
0x2a: {  	[tilespmem:s19], [sflag:$0x3] =	stream.linear.gather [hbm4b:s14+s4], $0x1E80, $0x38;
	[tilespmem:$0xF600] =	vst v63  }
0x2b: {  	s13 =	rddreg [dreg:$0x6]  }
0x2c: {  	[tilespmem:s23], [sflag:$0x4] =	stream.linear.gather [hbm4b:s13+s4], $0x1E80, $0x38;
	[tilespmem:$0xF600] =	vst v63  }
0x2d: {  	s14 =	rddreg [dreg:$0x1];
	s19 =	simm.s32 $0xF480  }
0x2e: {  	[tilespmem:s19], [sflag:$0x9] =	stream.linear.gather [hbm4b:s14+s4], $0x77, $0x38;
	[tilespmem:$0xF600] =	vst v63  }
0x2f: {  	_ =	swait.ge [sflag:s25], $0x77  }
0x30: {  	[sflag:s25] =	ssyncset.done $0x0  }
0x31: {  	[sflag:s25] =	ssyncadd.s32 $0xFFFFFF89  }
0x32: {  	v0 =	vld [tilespmem:$0xF480]  }
0x33: {  	v1 =	vld [tilespmem:$0xF490]  }
0x34: {  	v2 =	vld [tilespmem:$0xF4A0]  }
0x35: {  	v3 =	vld [tilespmem:$0xF4B0]  }
0x36: {  	v4 =	vld [tilespmem:$0xF4C0]  }
0x37: {  	v5 =	vld [tilespmem:$0xF4D0];
	v0 =	vmul.f32 $5.000000000e-01, v0  }
0x38: {  	v6 =	vld [tilespmem:$0xF4E0];
	v1 =	vmul.f32 $5.000000000e-01, v1  }
0x39: {  	v58 =	vld [tilespmem:$0xF4E7];
	v57 =	vmul.f32 $5.000000000e-01, v2;
	[tilespmem:$0x0] =	vst v0  }
0x3a: {  	v59 =	vmul.f32 $5.000000000e-01, v3;
	[tilespmem:$0x10] =	vst v1  }
0x3b: {  	v60 =	vmul.f32 $5.000000000e-01, v4;
	[tilespmem:$0x20] =	vst v57  }
0x3c: {  	v61 =	vmul.f32 $5.000000000e-01, v5;
	[tilespmem:$0x30] =	vst v59  }
0x3d: {  	v62 =	vmul.f32 $5.000000000e-01, v6;
	[tilespmem:$0x40] =	vst v60  }
0x3e: {  	v63 =	vmul.f32 $5.000000000e-01, v58;
	[tilespmem:$0x50] =	vst v61  }
0x3f: {  	[tilespmem:$0x60] =	vst v62  }
0x40: {  	s11 =	simm.s32 @!p0 $0x0;
	s12 =	simm.s32 @!p0 $0xF500;
	s13 =	rddreg [dreg:$0x7];
	[tilespmem:$0x67] =	vst v63  }
0x41: {  	[tilespmem:s12], [sflag:$0x9] =	stream.linear.gather @!p0 [hbm4b:s13+s11], $0x80, $0x38;
	[tilespmem:$0xF600] =	vst v63  }
0x42: {  	s12 =	simm.s32 @!p0 $0x9  }
0x43: {  	_ =	swait.ge @!p0 [sflag:s12], $0x80  }
0x44: {  	[sflag:s12] =	ssyncset.done @!p0 $0x0  }
0x45: {  	[sflag:s12] =	ssyncadd.s32 @!p0 $0xFFFFFF80  }
0x46: {  	v0 =	vld @!p0 [tilespmem:$0xF500];
	_ =	sdelay $0x5  }
0x47: {  	v1 =	vld @!p0 [tilespmem:$0xF510];
	_ =	sdelay $0x1  }
0x48: {  	v0 =	vld.idx.msk @!p0 [tilespmem:v0+s11+$0x0], $0xffff;
	_ =	sdelay $0x3  }
0x49: {  	v2 =	vld @!p0 [tilespmem:$0xF520]  }
0x4a: {  	[tilespmem:$0xF580] =	vst @!p0 v0  }
0x4b: {  	v0 =	vld.idx.msk @!p0 [tilespmem:v1+s11+$0x0], $0xffff;
	_ =	sdelay $0x3  }
0x4c: {  	v1 =	vld @!p0 [tilespmem:$0xF530]  }
0x4d: {  	[tilespmem:$0xF590] =	vst @!p0 v0  }
0x4e: {  	v0 =	vld.idx.msk @!p0 [tilespmem:v2+s11+$0x0], $0xffff;
	_ =	sdelay $0x3  }
0x4f: {  	v2 =	vld @!p0 [tilespmem:$0xF540]  }
0x50: {  	[tilespmem:$0xF5A0] =	vst @!p0 v0  }
0x51: {  	v0 =	vld.idx.msk @!p0 [tilespmem:v1+s11+$0x0], $0xffff;
	_ =	sdelay $0x3  }
0x52: {  	v1 =	vld @!p0 [tilespmem:$0xF550]  }
0x53: {  	[tilespmem:$0xF5B0] =	vst @!p0 v0  }
0x54: {  	v0 =	vld.idx.msk @!p0 [tilespmem:v2+s11+$0x0], $0xffff;
	_ =	sdelay $0x3  }
0x55: {  	v2 =	vld @!p0 [tilespmem:$0xF560]  }
0x56: {  	[tilespmem:$0xF5C0] =	vst @!p0 v0  }
0x57: {  	v0 =	vld.idx.msk @!p0 [tilespmem:v1+s11+$0x0], $0xffff;
	_ =	sdelay $0x3  }
0x58: {  	v1 =	vld @!p0 [tilespmem:$0xF570]  }
0x59: {  	[tilespmem:$0xF5D0] =	vst @!p0 v0  }
0x5a: {  	v0 =	vld.idx.msk @!p0 [tilespmem:v2+s11+$0x0], $0xffff;
	_ =	sdelay $0x4  }
0x5b: {  	[tilespmem:$0xF5E0] =	vst @!p0 v0  }
0x5c: {  	v0 =	vld.idx.msk @!p0 [tilespmem:v1+s11+$0x0], $0xffff;
	_ =	sdelay $0x4  }
0x5d: {  	s13 =	simm.s32 @!p0 $0xF580;
	s14 =	rddreg [dreg:$0x8];
	[tilespmem:$0xF5F0] =	vst @!p0 v0  }
0x5e: {  	[hbm4b:s14+s11] =	stream.linear.scatter @!p0 [tilespmem:s13], [sflag:$0x9], $0x80, $0x38;
	[tilespmem:$0xF600] =	vst v63  }
0x5f: {  	_ =	swait.ge @!p0 [sflag:s12], $0x80  }
0x60: {  	[sflag:s12] =	ssyncset.done @!p0 $0x0  }
0x61: {  	p1 =	por $0x1, $0x1;
	s11 =	simm.s32 $0x0;
	[sflag:s12] =	ssyncadd.s32 @!p0 $0xFFFFFF80  }
.LBB2_2:
0x62: {  	_ =	swait.ge [sflag:s26], $0x1E80  }
0x63: {  	[sflag:s26] =	ssyncset.done $0x0  }
0x64: {  	s12 =	simm.s32 @!p1 $0x5;
	[sflag:s26] =	ssyncadd.s32 $0xFFFFE180  }
0x65: {  	_ =	swait.ge @!p1 [sflag:s12], $0x1E80  }
0x66: {  	[sflag:s12] =	ssyncset.done @!p1 $0x0  }
0x67: {  	s14 =	simm.s32 $0xA0;
	[sflag:s12] =	ssyncadd.s32 @!p1 $0xFFFFE180  }
0x68: {  	v0 =	vld [tilespmem:s14+$0x10];
	_ =	sdelay $0x1  }
0x69: {  	v2 =	vld [tilespmem:s14+$0xFFFFFFE0]  }
0x6a: {  	v3 =	vld [tilespmem:s14+$0xFFFFFFF0]  }
0x6b: {  	s19 =	simm.s32 $0xE0;
	v5 =	vld [tilespmem:s14+$0x0]  }
0x6c: {  	v7 =	vld [tilespmem:s19+$0x10]  }
0x6d: {  	v1 =	vld [tilespmem:s19+$0xFFFFFFF0]  }
0x6e: {  	v6 =	vld [tilespmem:s19+$0xFFFFFFE0]  }
0x6f: {  	v8 =	vld.idx.msk [tilespmem:v0+s4+$0x0], $0xffff  }
0x70: {  	v0 =	vld [tilespmem:s19+$0x0]  }
0x71: {  	v4 =	vld.idx.msk [tilespmem:v2+s4+$0x0], $0xffff  }
0x72: {  	v2 =	vld.idx.msk [tilespmem:v3+s4+$0x0], $0xffff  }
0x73: {  	s13 =	simm.s32 $0x7AA0;
	v3 =	vld.idx.msk [tilespmem:v5+s4+$0x0], $0xffff  }
0x74: {  	s12 =	sadd.s32 s5, s11;
	s14 =	simm.s32 $0x40;
	v5 =	vld.idx.msk [tilespmem:v7+s4+$0x0], $0xffff;
	s19 =	simm.s32 $0x120;
	[tilespmem:s13+$0x10] =	vst v8  }
.LBB2_3:
0x75: {  	v7 =	vld [tilespmem:s19+$0x10];
	s14 =	sadd.s32 $0x40, s14  }
0x76: {  	v8 =	vld [tilespmem:s19+$0xFFFFFFF0];
	p2 =	slt.u32 s14, $0x1E40;
	[tilespmem:s13+$0xFFFFFFE0] =	vst v4  }
0x77: {  	v9 =	vld [tilespmem:s19+$0x0];
	[tilespmem:s13+$0xFFFFFFF0] =	vst v2  }
0x78: {  	v10 =	vld [tilespmem:s19+$0xFFFFFFE0];
	[tilespmem:s13+$0x0] =	vst v3  }
.Ltmp2:
0x79: {  	s13 =	sadd.s32 $0x40, s13;
	v4 =	vld.idx.msk [tilespmem:v6+s4+$0x0], $0xffff;
	(pc) =	sbr.rel @p2 .LBB2_3-.Ltmp2, $4  }
0x7a: {  	v2 =	vld.idx.msk [tilespmem:v1+s4+$0x0], $0xffff;
	[tilespmem:s13+$0x10] =	vst v5  }
0x7b: {  	v3 =	vld.idx.msk [tilespmem:v0+s4+$0x0], $0xffff;
	v1 =	vmov v8  }
0x7c: {  	v0 =	vmov v9  }
0x7d: {  	s19 =	sadd.s32 $0x40, s19;
	v5 =	vld.idx.msk [tilespmem:v7+s4+$0x0], $0xffff;
	v6 =	vmov v10  }
0x7e: {  	_ =	sdelay $0x3  }
0x7f: {  	v6 =	vld.idx.msk [tilespmem:v6+s4+$0x0], $0xffff  }
0x80: {  	[tilespmem:s13+$0xFFFFFFE0] =	vst v4;
	v1 =	vld.idx.msk [tilespmem:v1+s4+$0x0], $0xffff  }
0x81: {  	v0 =	vld.idx.msk [tilespmem:v0+s4+$0x0], $0xffff;
	[tilespmem:s13+$0xFFFFFFF0] =	vst v2  }
0x82: {  	s19 =	sadd.s32 $0x40, s13;
	[tilespmem:s13+$0x0] =	vst v3  }
0x83: {  	[tilespmem:s19+$0x10] =	vst v5  }
0x84: {  	[tilespmem:s19+$0xFFFFFFE0] =	vst v6  }
0x85: {  	s12 =	sshrl.u32 s12, $0x3;
	[tilespmem:s19+$0xFFFFFFF0] =	vst v1  }
0x86: {  	s12 =	sadd.s32 s3, s12;
	[tilespmem:s19+$0x0] =	vst v0  }
0x87: {  	[hbm4b:s12+s4] =	stream.linear.scatter [tilespmem:s28], [sflag:$0x5], $0x1E80, $0x38;
	[tilespmem:$0xF600] =	vst v63  }
0x88: {  	s13 =	simm.s32 @p1 $0x80;
	s12 =	simm.s32 @p1 $0x0  }
0x89: {  	[tilespmem:s13], [sflag:$0x1] =	stream.linear.gather @p1 [hbm4b:s15+s12], $0x1E80, $0x38;
	[tilespmem:$0xF600] =	vst v63  }
0x8a: {  	_ =	swait.ge [sflag:s29], $0x1E80  }
0x8b: {  	[sflag:s29] =	ssyncset.done $0x0  }
0x8c: {  	s12 =	simm.s32 @!p1 $0x6;
	[sflag:s29] =	ssyncadd.s32 $0xFFFFE180  }
0x8d: {  	_ =	swait.ge @!p1 [sflag:s12], $0x1E80  }
0x8e: {  	[sflag:s12] =	ssyncset.done @!p1 $0x0  }
0x8f: {  	s14 =	simm.s32 $0x1F20;
	[sflag:s12] =	ssyncadd.s32 @!p1 $0xFFFFE180  }
0x90: {  	v0 =	vld [tilespmem:s14+$0x10];
	_ =	sdelay $0x1  }
0x91: {  	v2 =	vld [tilespmem:s14+$0xFFFFFFE0]  }
0x92: {  	v3 =	vld [tilespmem:s14+$0xFFFFFFF0]  }
0x93: {  	s19 =	simm.s32 $0x1F60;
	v5 =	vld [tilespmem:s14+$0x0]  }
0x94: {  	v7 =	vld [tilespmem:s19+$0x10]  }
0x95: {  	v1 =	vld [tilespmem:s19+$0xFFFFFFF0]  }
0x96: {  	v6 =	vld [tilespmem:s19+$0xFFFFFFE0]  }
0x97: {  	v8 =	vld.idx.msk [tilespmem:v0+s4+$0x0], $0xffff  }
0x98: {  	v0 =	vld [tilespmem:s19+$0x0]  }
0x99: {  	v4 =	vld.idx.msk [tilespmem:v2+s4+$0x0], $0xffff  }
0x9a: {  	v2 =	vld.idx.msk [tilespmem:v3+s4+$0x0], $0xffff  }
0x9b: {  	s13 =	simm.s32 $0x9920;
	v3 =	vld.idx.msk [tilespmem:v5+s4+$0x0], $0xffff  }
0x9c: {  	s12 =	sadd.s32 s11, s6;
	s14 =	simm.s32 $0x40;
	v5 =	vld.idx.msk [tilespmem:v7+s4+$0x0], $0xffff;
	s19 =	simm.s32 $0x1FA0;
	[tilespmem:s13+$0x10] =	vst v8  }
.LBB2_5:
0x9d: {  	v7 =	vld [tilespmem:s19+$0x10];
	s14 =	sadd.s32 $0x40, s14  }
0x9e: {  	v8 =	vld [tilespmem:s19+$0xFFFFFFF0];
	p2 =	slt.u32 s14, $0x1E40;
	[tilespmem:s13+$0xFFFFFFE0] =	vst v4  }
0x9f: {  	v9 =	vld [tilespmem:s19+$0x0];
	[tilespmem:s13+$0xFFFFFFF0] =	vst v2  }
0xa0: {  	v10 =	vld [tilespmem:s19+$0xFFFFFFE0];
	[tilespmem:s13+$0x0] =	vst v3  }
.Ltmp3:
0xa1: {  	s13 =	sadd.s32 $0x40, s13;
	v4 =	vld.idx.msk [tilespmem:v6+s4+$0x0], $0xffff;
	(pc) =	sbr.rel @p2 .LBB2_5-.Ltmp3, $4  }
0xa2: {  	v2 =	vld.idx.msk [tilespmem:v1+s4+$0x0], $0xffff;
	[tilespmem:s13+$0x10] =	vst v5  }
0xa3: {  	v3 =	vld.idx.msk [tilespmem:v0+s4+$0x0], $0xffff;
	v1 =	vmov v8  }
0xa4: {  	v0 =	vmov v9  }
0xa5: {  	s19 =	sadd.s32 $0x40, s19;
	v5 =	vld.idx.msk [tilespmem:v7+s4+$0x0], $0xffff;
	v6 =	vmov v10  }
0xa6: {  	_ =	sdelay $0x3  }
0xa7: {  	v6 =	vld.idx.msk [tilespmem:v6+s4+$0x0], $0xffff  }
0xa8: {  	[tilespmem:s13+$0xFFFFFFE0] =	vst v4;
	v1 =	vld.idx.msk [tilespmem:v1+s4+$0x0], $0xffff  }
0xa9: {  	v0 =	vld.idx.msk [tilespmem:v0+s4+$0x0], $0xffff;
	[tilespmem:s13+$0xFFFFFFF0] =	vst v2  }
0xaa: {  	s19 =	sadd.s32 $0x40, s13;
	[tilespmem:s13+$0x0] =	vst v3  }
0xab: {  	[tilespmem:s19+$0x10] =	vst v5  }
0xac: {  	[tilespmem:s19+$0xFFFFFFE0] =	vst v6  }
0xad: {  	s12 =	sshrl.u32 s12, $0x3;
	[tilespmem:s19+$0xFFFFFFF0] =	vst v1  }
0xae: {  	s12 =	sadd.s32 s3, s12;
	[tilespmem:s19+$0x0] =	vst v0  }
0xaf: {  	[hbm4b:s12+s4] =	stream.linear.scatter [tilespmem:s30], [sflag:$0x6], $0x1E80, $0x38;
	[tilespmem:$0xF600] =	vst v63  }
0xb0: {  	s13 =	simm.s32 @p1 $0x1F00;
	s12 =	simm.s32 @p1 $0x0  }
0xb1: {  	[tilespmem:s13], [sflag:$0x2] =	stream.linear.gather @p1 [hbm4b:s16+s12], $0x1E80, $0x38;
	[tilespmem:$0xF600] =	vst v63  }
0xb2: {  	_ =	swait.ge [sflag:s31], $0x1E80  }
0xb3: {  	[sflag:s31] =	ssyncset.done $0x0  }
0xb4: {  	s12 =	simm.s32 @!p1 $0x7;
	[sflag:s31] =	ssyncadd.s32 $0xFFFFE180  }
0xb5: {  	_ =	swait.ge @!p1 [sflag:s12], $0x1E80  }
0xb6: {  	[sflag:s12] =	ssyncset.done @!p1 $0x0  }
0xb7: {  	s14 =	simm.s32 $0x3DA0;
	[sflag:s12] =	ssyncadd.s32 @!p1 $0xFFFFE180  }
0xb8: {  	v0 =	vld [tilespmem:s14+$0x10];
	_ =	sdelay $0x1  }
0xb9: {  	v2 =	vld [tilespmem:s14+$0xFFFFFFE0]  }
0xba: {  	v3 =	vld [tilespmem:s14+$0xFFFFFFF0]  }
0xbb: {  	s19 =	simm.s32 $0x3DE0;
	v5 =	vld [tilespmem:s14+$0x0]  }
0xbc: {  	v7 =	vld [tilespmem:s19+$0x10]  }
0xbd: {  	v1 =	vld [tilespmem:s19+$0xFFFFFFF0]  }
0xbe: {  	v6 =	vld [tilespmem:s19+$0xFFFFFFE0]  }
0xbf: {  	v8 =	vld.idx.msk [tilespmem:v0+s4+$0x0], $0xffff  }
0xc0: {  	v0 =	vld [tilespmem:s19+$0x0]  }
0xc1: {  	v4 =	vld.idx.msk [tilespmem:v2+s4+$0x0], $0xffff  }
0xc2: {  	v2 =	vld.idx.msk [tilespmem:v3+s4+$0x0], $0xffff  }
0xc3: {  	s13 =	simm.s32 $0xB7A0;
	v3 =	vld.idx.msk [tilespmem:v5+s4+$0x0], $0xffff  }
0xc4: {  	s12 =	sadd.s32 s11, s9;
	s14 =	simm.s32 $0x40;
	v5 =	vld.idx.msk [tilespmem:v7+s4+$0x0], $0xffff;
	s19 =	simm.s32 $0x3E20;
	[tilespmem:s13+$0x10] =	vst v8  }
.LBB2_7:
0xc5: {  	v7 =	vld [tilespmem:s19+$0x10];
	s14 =	sadd.s32 $0x40, s14  }
0xc6: {  	v8 =	vld [tilespmem:s19+$0xFFFFFFF0];
	p2 =	slt.u32 s14, $0x1E40;
	[tilespmem:s13+$0xFFFFFFE0] =	vst v4  }
0xc7: {  	v9 =	vld [tilespmem:s19+$0x0];
	[tilespmem:s13+$0xFFFFFFF0] =	vst v2  }
0xc8: {  	v10 =	vld [tilespmem:s19+$0xFFFFFFE0];
	[tilespmem:s13+$0x0] =	vst v3  }
.Ltmp4:
0xc9: {  	s13 =	sadd.s32 $0x40, s13;
	v4 =	vld.idx.msk [tilespmem:v6+s4+$0x0], $0xffff;
	(pc) =	sbr.rel @p2 .LBB2_7-.Ltmp4, $4  }
0xca: {  	v2 =	vld.idx.msk [tilespmem:v1+s4+$0x0], $0xffff;
	[tilespmem:s13+$0x10] =	vst v5  }
0xcb: {  	v3 =	vld.idx.msk [tilespmem:v0+s4+$0x0], $0xffff;
	v1 =	vmov v8  }
0xcc: {  	v0 =	vmov v9  }
0xcd: {  	s19 =	sadd.s32 $0x40, s19;
	v5 =	vld.idx.msk [tilespmem:v7+s4+$0x0], $0xffff;
	v6 =	vmov v10  }
0xce: {  	_ =	sdelay $0x3  }
0xcf: {  	v6 =	vld.idx.msk [tilespmem:v6+s4+$0x0], $0xffff  }
0xd0: {  	[tilespmem:s13+$0xFFFFFFE0] =	vst v4;
	v1 =	vld.idx.msk [tilespmem:v1+s4+$0x0], $0xffff  }
0xd1: {  	v0 =	vld.idx.msk [tilespmem:v0+s4+$0x0], $0xffff;
	[tilespmem:s13+$0xFFFFFFF0] =	vst v2  }
0xd2: {  	s19 =	sadd.s32 $0x40, s13;
	[tilespmem:s13+$0x0] =	vst v3  }
0xd3: {  	[tilespmem:s19+$0x10] =	vst v5  }
0xd4: {  	[tilespmem:s19+$0xFFFFFFE0] =	vst v6  }
0xd5: {  	s12 =	sshrl.u32 s12, $0x3;
	[tilespmem:s19+$0xFFFFFFF0] =	vst v1  }
0xd6: {  	s12 =	sadd.s32 s3, s12;
	[tilespmem:s19+$0x0] =	vst v0  }
0xd7: {  	[hbm4b:s12+s4] =	stream.linear.scatter [tilespmem:s1], [sflag:$0x7], $0x1E80, $0x38;
	[tilespmem:$0xF600] =	vst v63  }
0xd8: {  	s13 =	simm.s32 @p1 $0x3D80;
	s12 =	simm.s32 @p1 $0x0  }
0xd9: {  	[tilespmem:s13], [sflag:$0x3] =	stream.linear.gather @p1 [hbm4b:s17+s12], $0x1E80, $0x38;
	[tilespmem:$0xF600] =	vst v63  }
0xda: {  	_ =	swait.ge [sflag:s0], $0x1E80  }
0xdb: {  	[sflag:s0] =	ssyncset.done $0x0  }
0xdc: {  	s12 =	simm.s32 @!p1 $0x8;
	[sflag:s0] =	ssyncadd.s32 $0xFFFFE180  }
0xdd: {  	_ =	swait.ge @!p1 [sflag:s12], $0x1E80  }
0xde: {  	[sflag:s12] =	ssyncset.done @!p1 $0x0  }
0xdf: {  	s14 =	simm.s32 $0x5C20;
	[sflag:s12] =	ssyncadd.s32 @!p1 $0xFFFFE180  }
0xe0: {  	v0 =	vld [tilespmem:s14+$0x10];
	_ =	sdelay $0x1  }
0xe1: {  	v2 =	vld [tilespmem:s14+$0xFFFFFFE0]  }
0xe2: {  	v3 =	vld [tilespmem:s14+$0xFFFFFFF0]  }
0xe3: {  	s19 =	simm.s32 $0x5C60;
	v5 =	vld [tilespmem:s14+$0x0]  }
0xe4: {  	v7 =	vld [tilespmem:s19+$0x10]  }
0xe5: {  	v1 =	vld [tilespmem:s19+$0xFFFFFFF0]  }
0xe6: {  	v6 =	vld [tilespmem:s19+$0xFFFFFFE0]  }
0xe7: {  	v8 =	vld.idx.msk [tilespmem:v0+s4+$0x0], $0xffff  }
0xe8: {  	v0 =	vld [tilespmem:s19+$0x0]  }
0xe9: {  	v4 =	vld.idx.msk [tilespmem:v2+s4+$0x0], $0xffff  }
0xea: {  	v2 =	vld.idx.msk [tilespmem:v3+s4+$0x0], $0xffff  }
0xeb: {  	s12 =	simm.s32 $0xD620;
	v3 =	vld.idx.msk [tilespmem:v5+s4+$0x0], $0xffff  }
0xec: {  	s11 =	sadd.s32 s11, s10;
	s13 =	simm.s32 $0x40;
	s14 =	simm.s32 $0x5CA0;
	v5 =	vld.idx.msk [tilespmem:v7+s4+$0x0], $0xffff;
	[tilespmem:s12+$0x10] =	vst v8  }
.LBB2_9:
0xed: {  	v7 =	vld [tilespmem:s14+$0x10];
	s13 =	sadd.s32 $0x40, s13  }
0xee: {  	v8 =	vld [tilespmem:s14+$0xFFFFFFF0];
	p2 =	slt.u32 s13, $0x1E40;
	[tilespmem:s12+$0xFFFFFFE0] =	vst v4  }
0xef: {  	v9 =	vld [tilespmem:s14+$0x0];
	[tilespmem:s12+$0xFFFFFFF0] =	vst v2  }
0xf0: {  	v10 =	vld [tilespmem:s14+$0xFFFFFFE0];
	[tilespmem:s12+$0x0] =	vst v3  }
.Ltmp5:
0xf1: {  	s12 =	sadd.s32 $0x40, s12;
	v4 =	vld.idx.msk [tilespmem:v6+s4+$0x0], $0xffff;
	(pc) =	sbr.rel @p2 .LBB2_9-.Ltmp5, $4  }
0xf2: {  	v2 =	vld.idx.msk [tilespmem:v1+s4+$0x0], $0xffff;
	[tilespmem:s12+$0x10] =	vst v5  }
0xf3: {  	v3 =	vld.idx.msk [tilespmem:v0+s4+$0x0], $0xffff;
	v1 =	vmov v8  }
0xf4: {  	v0 =	vmov v9  }
0xf5: {  	s14 =	sadd.s32 $0x40, s14;
	v5 =	vld.idx.msk [tilespmem:v7+s4+$0x0], $0xffff;
	v6 =	vmov v10  }
0xf6: {  	_ =	sdelay $0x3  }
0xf7: {  	v6 =	vld.idx.msk [tilespmem:v6+s4+$0x0], $0xffff  }
0xf8: {  	[tilespmem:s12+$0xFFFFFFE0] =	vst v4;
	v1 =	vld.idx.msk [tilespmem:v1+s4+$0x0], $0xffff  }
0xf9: {  	v0 =	vld.idx.msk [tilespmem:v0+s4+$0x0], $0xffff;
	[tilespmem:s12+$0xFFFFFFF0] =	vst v2  }
0xfa: {  	s19 =	sadd.s32 $0x40, s12;
	[tilespmem:s12+$0x0] =	vst v3  }
.Ltmp6:
0xfb: {  	[tilespmem:s19+$0x10] =	vst v5;
	(pc) =	sbr.rel @!p1 .LBB2_12-.Ltmp6, $4  }
0xfc: {  	[tilespmem:s19+$0xFFFFFFE0] =	vst v6  }
0xfd: {  	s11 =	sshrl.u32 s11, $0x3;
	[tilespmem:s19+$0xFFFFFFF0] =	vst v1  }
0xfe: {  	s11 =	sadd.s32 s3, s11;
	[tilespmem:s19+$0x0] =	vst v0  }
0xff: {  	[hbm4b:s11+s4] =	stream.linear.scatter [tilespmem:s2], [sflag:$0x8], $0x1E80, $0x38;
	[tilespmem:$0xF600] =	vst v63  }
.Ltmp7:
0x100: {  	(pc) =	sbr.rel .LBB2_2-.Ltmp7, $3  }
0x101: {  	_ =	sdelay $0x1  }
0x102: {  	[tilespmem:s23], [sflag:$0x4] =	stream.linear.gather [hbm4b:s18+s4], $0x1E80, $0x38;
	[tilespmem:$0xF600] =	vst v63  }
0x103: {  	s11 =	simm.s32 $0x7A00;
	p1 =	por $0x0, $0x0  }
.LBB2_13:
0x104: {  	_ =	sfence.sel $0x180000  }
0x105: {  	[bflag:$0x0] =	sbarrier.arrive $0xFFFF  }
0x106: {  	_ =	strace $0x90000047  }
0x107: {  	s0 =	stileid.u32;
	[bflag:$0x2] =	sbarrier.arrive $0xFFFF  }
0x108: {  	p0 =	sne.s32 s0, $0x0;
	s0 =	rddreg [dreg:$0x3]  }
0x109: {  	s0 =	sadd.s32 @!p0 $0x100000, s0  }
0x10a: {  	[sflag:s0] =	ssyncadd.tile.s32 @!p0 $0x1;
	_ =	shalt  }
.Lfunc_end2:
_tile_overlayer_lowered:
.L_overlay_start_2:
0x10b: {  	(tag) =	ssettag $0x2  }
0x10c: {  	s0 =	rddreg [dreg:$0x0];
	s2 =	stileid.u32  }
0x10d: {  	s1 =	rddreg [dreg:$0x1];
	p0 =	sne.s32 s2, $0x0  }
0x10e: {  	s3 =	rddreg [dreg:$0x2];
	[bflag:$0x3] =	sbarrier.arrive $0xFFFF;
	s2 =	simm.s32 @!p0 $0x1C09  }
0x10f: {  	[timem:s3], [sflag:s2] =	dma.local @!p0 [hbm:s0], s1  }
0x110: {  	s0 =	simm.s32 @!p0 $0x9  }
0x111: {  	_ =	swait.ge @!p0 [sflag:s0], s1  }
0x112: {  	s1 =	ssub.s32 @!p0 $0x0, s1;
	[sflag:s0] =	ssyncset.done @!p0 $0x0  }
0x113: {  	[sflag:s0] =	ssyncadd.s32 @!p0 s1  }
0x114: {  	[bflag:$0x3] =	sbarrier.arrive $0xFFFF  }
0x115: {  	_ =	shalt  }

</sc_bundles>
